<compile_context>
chip_gen: v7x
topology: tpu7x:2x2x1
jax: 0.10.2.dev20260603
libtpu: 0.0.44.dev20260713+nightly
codegen_flags: <defaults>
</compile_context>

<pallas_src>
import functools

import jax
import jax.numpy as jnp
import ml_dtypes
import numpy as np
from jax import lax
from jax.experimental import pallas as pl
from jax.experimental.pallas import tpu as pltpu
from jax.experimental.pallas import tpu_sc as plsc

EPS = 1e-06
NUM_CLASSES = 10
MAX_IMVOTE = 3
IMG_H, IMG_W = 480, 600
B = 2
SEED_NUM = 16384
BBOX_NUM = 128
HW = IMG_H * IMG_W


def _bf(v):
    return float(np.asarray(v, np.float32).astype(ml_dtypes.bfloat16).astype(np.float32))


_C530 = _bf(530.0)
_C300 = _bf(300.0)
_C240 = _bf(240.0)
_CINV = _bf(np.float32(1.0) / np.float32(530.0))

S_BLK = 16384

_SC_CORES = 2
_SC_SUBCORES = 16
_NW = _SC_CORES * _SC_SUBCORES
_NTOT = B * SEED_NUM
_PER_W = _NTOT // _NW
_WPB = _NW // B
_ROWS_PER_CH = HW // 8
_CHUNKS = _PER_W // 16


def _project(seeds_ref):
    x = seeds_ref[0, 0:1, :]
    y = seeds_ref[0, 1:2, :]
    z = seeds_ref[0, 2:3, :]
    xb = x.astype(jnp.bfloat16).astype(jnp.float32)
    yb = y.astype(jnp.bfloat16).astype(jnp.float32)
    zb = z.astype(jnp.bfloat16).astype(jnp.float32)
    p0 = _C530 * xb + _C300 * yb
    p1 = _C240 * yb - _C530 * zb
    uo = jnp.round(p0 / yb - 1.0)
    vo = jnp.round(p1 / yb - 1.0)
    return x, y, z, uo, vo, yb


def _pix_body(seeds_ref, pix_ref):
    _, _, _, uo, vo, _ = _project(seeds_ref)
    u_cl = jnp.clip(uo, 0.0, IMG_W - 1.0)
    v_cl = jnp.clip(vo, 0.0, IMG_H - 1.0)
    pix_ref[0, 0:1, :] = (v_cl * IMG_W + u_cl).astype(jnp.int32)


def _pix_call(seeds_t):
    return pl.pallas_call(
        _pix_body,
        grid=(B, SEED_NUM // S_BLK),
        in_specs=[pl.BlockSpec((1, 3, S_BLK), lambda b, i: (b, 0, i))],
        out_specs=pl.BlockSpec((1, 1, S_BLK), lambda b, i: (b, 0, i)),
        out_shape=jax.ShapeDtypeStruct((B, 1, SEED_NUM), jnp.int32),
        compiler_params=pltpu.CompilerParams(
            dimension_semantics=("parallel", "parallel")),
    )(seeds_t)


_sc_mesh = plsc.VectorSubcoreMesh(core_axis_name="c", subcore_axis_name="s")


@functools.partial(
    pl.kernel,
    mesh=_sc_mesh,
    compiler_params=pltpu.CompilerParams(use_tc_tiling_on_sc=False,
                                         needs_layout_passes=False),
    out_type=jax.ShapeDtypeStruct((B, 8, SEED_NUM), jnp.float32),
    scratch_types=[
        pltpu.VMEM((_PER_W,), jnp.int32),
        pltpu.VMEM((_PER_W,), jnp.int32),
        pltpu.VMEM((_PER_W,), jnp.int32),
        pltpu.VMEM((_PER_W, 8), jnp.float32),
        pltpu.VMEM((_PER_W,), jnp.float32),
        pltpu.SemaphoreType.DMA,
    ],
)
def _sc_gather(img_hbm, pix_hbm, out_hbm, pix_v, row_v, lane_v, rows_v, txt_v, sem):
    wid = lax.axis_index("s") * _SC_CORES + lax.axis_index("c")
    b = wid // _WPB
    s0 = (wid % _WPB) * _PER_W
    pltpu.sync_copy(pix_hbm.at[pl.ds(wid * _PER_W, _PER_W)], pix_v)

    def split_body(j, _):
        o = pl.multiple_of(j * 16, 16)
        p = pix_v[pl.ds(o, 16)]
        row_v[pl.ds(o, 16)] = lax.shift_right_logical(p, 3)
        lane_v[pl.ds(o, 16)] = lax.bitwise_and(p, 7)
        return 0

    lax.fori_loop(0, _CHUNKS, split_body, 0)

    for c in range(3):
        ch_base = (b * 3 + c) * _ROWS_PER_CH

        def off_body(j, _):
            o = pl.multiple_of(j * 16, 16)
            pix_v[pl.ds(o, 16)] = row_v[pl.ds(o, 16)] + ch_base
            return 0

        lax.fori_loop(0, _CHUNKS, off_body, 0)
        pltpu.async_copy(img_hbm.at[pix_v], rows_v, sem).wait()

        def sel_body(j, _):
            o = pl.multiple_of(j * 16, 16)
            ridx = lax.iota(jnp.int32, 16) + j * 16
            vals = plsc.load_gather(rows_v, [ridx, lane_v[pl.ds(o, 16)]])
            txt_v[pl.ds(o, 16)] = vals / 255.0
            return 0

        lax.fori_loop(0, _CHUNKS, sel_body, 0)
        pltpu.sync_copy(txt_v, out_hbm.at[b, c, pl.ds(s0, _PER_W)])


def _tc_body(seeds_ref, bbox_ref, txt_ref, feat_ref, mask_ref):
    b_id = pl.program_id(0)
    i_id = pl.program_id(1)
    col0 = pl.multiple_of(i_id * S_BLK, S_BLK)
    x, y, z, uo, vo, zc = _project(seeds_ref)

    bl = bbox_ref[0, :, 0:1]
    bt = bbox_ref[0, :, 1:2]
    br = bbox_ref[0, :, 2:3]
    bb = bbox_ref[0, :, 3:4]
    bconf = bbox_ref[0, :, 4:5]

    in_bbox = (uo > bl) & (uo < br) & (vo > bt) & (vo < bb)
    score = in_bbox.astype(jnp.float32) + bconf

    iota_b = lax.broadcasted_iota(jnp.int32, (BBOX_NUM, S_BLK), 0)
    iota_c = lax.broadcasted_iota(jnp.int32, (NUM_CLASSES, S_BLK), 0)
    params_t = bbox_ref[0, :, :]

    for k in range(MAX_IMVOTE):
        m = jnp.max(score, axis=0, keepdims=True)
        sel_i = jnp.min(jnp.where(score == m, iota_b, BBOX_NUM),
                        axis=0, keepdims=True)
        onehot = (iota_b == sel_i).astype(jnp.float32)
        selp = lax.dot_general(params_t, onehot, (((0,), (0,)), ((), ())),
                               precision=lax.Precision.HIGHEST)
        sbl = selp[0:1, :]
        sbt = selp[1:2, :]
        sbr = selp[2:3, :]
        sbb = selp[3:4, :]
        sconf = selp[4:5, :]
        scls = selp[5:6, :]

        inb = (uo > sbl) & (uo < sbr) & (vo > sbt) & (vo < sbb)
        inbf = inb.astype(jnp.float32)

        du = (sbl + sbr) * 0.5 - uo
        dv = (sbt + sbb) * 0.5 - vo
        v0 = (du * zc).astype(jnp.bfloat16).astype(jnp.float32)
        v1 = (dv * zc).astype(jnp.bfloat16).astype(jnp.float32)
        iv0 = v0 * _CINV
        iv2 = -(v1 * _CINV)
        r0 = x + iv0
        r1 = y
        r2 = z + iv2
        rn = jnp.sqrt(r0 * r0 + r1 * r1 + r2 * r2 + EPS)
        r0 = r0 / rn
        r1 = r1 / rn
        r2 = r2 / rn
        xz0 = r0 / (r1 + EPS) * y - x
        xz1 = r2 / (r1 + EPS) * y - z

        cls_i = scls.astype(jnp.int32)
        sem = (iota_c == cls_i).astype(jnp.float32) * sconf

        geo = jnp.concatenate([xz0, xz1, r0, r1, r2], axis=0)
        cue = jnp.concatenate([geo, sem], axis=0) * inbf
        txt3 = txt_ref[0, 0:3, :]
        feat_ref[0, 0:15, pl.ds(col0 + k * SEED_NUM, S_BLK)] = cue
        feat_ref[0, 15:18, pl.ds(col0 + k * SEED_NUM, S_BLK)] = txt3
        mask_ref[pl.ds(b_id, 1), pl.ds(col0 + k * SEED_NUM, S_BLK)] = inb

        score = jnp.where(iota_b == sel_i, -1.0, score)


_NBLK = SEED_NUM // S_BLK


def _tc_call(seeds_t, bboxes, txt):
    return pl.pallas_call(
        _tc_body,
        grid=(B, _NBLK),
        in_specs=[
            pl.BlockSpec((1, 3, S_BLK), lambda b, i: (b, 0, i)),
            pl.BlockSpec((1, BBOX_NUM, 6), lambda b, i: (b, 0, 0)),
            pl.BlockSpec((1, 8, S_BLK), lambda b, i: (b, 0, i)),
        ],
        out_specs=[
            pl.BlockSpec((1, 18, MAX_IMVOTE * SEED_NUM), lambda b, i: (b, 0, 0)),
            pl.BlockSpec((B, MAX_IMVOTE * SEED_NUM), lambda b, i: (0, 0)),
        ],
        out_shape=[
            jax.ShapeDtypeStruct((B, 18, MAX_IMVOTE * SEED_NUM), jnp.float32),
            jax.ShapeDtypeStruct((B, MAX_IMVOTE * SEED_NUM), jnp.bool_),
        ],
        compiler_params=pltpu.CompilerParams(
            dimension_semantics=("parallel", "arbitrary")),
    )(seeds_t, bboxes, txt)


def kernel(imgs, bboxes_2d_rescaled, seeds_3d_depth):
    seeds_t = jnp.transpose(seeds_3d_depth, (0, 2, 1))
    pix = _pix_call(seeds_t)
    img_rows = imgs.reshape(B * 3 * _ROWS_PER_CH, 8)
    txt = _sc_gather(img_rows, pix.reshape(_NTOT))
    feats, mask_b = _tc_call(seeds_t, bboxes_2d_rescaled, txt)
    return feats, mask_b

# --- scband reference (transcript-rebuilt; emitter-appended) ---
"""Pipeline reference for scband-vote-fusion-8959301780010 (READ-ONLY COPY).

The authoritative reference and input builder live on the scoring server;
editing this copy changes nothing except your own understanding.
"""

import jax, jax.numpy as jnp
import numpy as np

EPS = 1e-06
NUM_CLASSES = 10
MAX_IMVOTE = 3
IMG_H, IMG_W = 480, 600
B = 2
SEED_NUM = 16384
BBOX_NUM = 128

_FX, _FY, _CX, _CY = 530.0, 530.0, 300.0, 240.0
_K = np.array([[_FX, 0.0, _CX], [0.0, _FY, _CY], [0.0, 0.0, 1.0]], dtype=np.float32)
_R = np.array([[1.0, 0.0, 0.0], [0.0, 0.0, -1.0], [0.0, 1.0, 0.0]], dtype=np.float32)
DEPTH2IMG = jnp.asarray(_K @ _R)


def setup_inputs(seed: int = 0) -> dict:
    key = jax.random.key(seed)
    k1, k2, k3, k4, k5, k6 = jax.random.split(key, 6)
    imgs = jax.random.uniform(k1, (B, 3, IMG_H, IMG_W), jnp.float32) * 255.0
    sx = jax.random.uniform(k2, (B, SEED_NUM, 1), jnp.float32, minval=-2.0, maxval=2.0)
    sy = jax.random.uniform(k3, (B, SEED_NUM, 1), jnp.float32, minval=1.5, maxval=6.0)
    sz = jax.random.uniform(k4, (B, SEED_NUM, 1), jnp.float32, minval=-1.0, maxval=1.5)
    seeds_3d_depth = jnp.concatenate([sx, sy, sz], axis=-1)
    lt = jax.random.uniform(k5, (B, BBOX_NUM, 2), jnp.float32) * jnp.array([IMG_W * 0.7, IMG_H * 0.7], jnp.float32)
    wh = jax.random.uniform(k6, (B, BBOX_NUM, 2), jnp.float32, minval=20.0, maxval=200.0)
    rb = jnp.minimum(lt + wh, jnp.array([IMG_W - 1.0, IMG_H - 1.0], jnp.float32))
    conf = jax.random.uniform(jax.random.fold_in(key, 7), (B, BBOX_NUM, 1), jnp.float32)
    cls = jax.random.randint(jax.random.fold_in(key, 8), (B, BBOX_NUM, 1), 0, NUM_CLASSES).astype(jnp.float32)
    bboxes_2d_rescaled = jnp.concatenate([lt[..., 0:1], lt[..., 1:2], rb[..., 0:1], rb[..., 1:2], conf, cls], axis=-1)
    return {"imgs": imgs, "bboxes_2d_rescaled": bboxes_2d_rescaled, "seeds_3d_depth": seeds_3d_depth}


def _points_cam2img(points, proj):
    p = points @ proj.T
    uv = p[..., :2] / p[..., 2:3]
    return jnp.concatenate([uv, p[..., 2:3]], axis=-1)


def _fuse_single(img, bbox_2d, seed_3d):
    seed_num, bbox_num = SEED_NUM, BBOX_NUM
    # apply_3d_transformation / coord_2d_transform / bbox_2d_transform are identity
    # (no flip / rotation / scaling in img_meta)
    xyz_depth = seed_3d
    uvz = _points_cam2img(xyz_depth, DEPTH2IMG)
    z_cam0 = uvz[..., 2]
    uv_origin = jnp.round(uvz[..., :2] - 1.0)
    uv_rescaled = uv_origin
    bbox_2d_origin = bbox_2d

    bbox_exp = jnp.broadcast_to(bbox_2d_origin[None, :, :], (seed_num, bbox_num, 6))
    seed_2d = jnp.broadcast_to(uv_origin[:, None, :], (seed_num, bbox_num, 2))
    sx = seed_2d[..., 0:1]
    sy = seed_2d[..., 1:2]
    bl = bbox_exp[..., 0:1]
    bt = bbox_exp[..., 1:2]
    br = bbox_exp[..., 2:3]
    bb = bbox_exp[..., 3:4]
    bconf = bbox_exp[..., 4:5]
    bcls = bbox_exp[..., 5:6]
    midx = (bl + br) / 2.0
    midy = (bt + bb) / 2.0
    in_x = (sx > bl) & (sx < br)
    in_y = (sy > bt) & (sy < bb)
    in_bbox = in_x & in_y  # [seed, bbox, 1]

    # scatter(-1, cls, conf) on zeros == one_hot(cls) * conf
    sem_cue = jax.nn.one_hot(bcls[..., 0].astype(jnp.int32), NUM_CLASSES, dtype=jnp.float32) * bconf

    delta_u = midx - sx
    delta_v = midy - sy
    seed_3d_exp = jnp.broadcast_to(seed_3d[:, None, :], (seed_num, bbox_num, 3))
    z_cam = jnp.broadcast_to(z_cam0[:, None, None], (seed_num, bbox_num, 1))
    imvote = jnp.concatenate([delta_u, delta_v, jnp.zeros_like(delta_v)], axis=-1).reshape(-1, 3)
    imvote = imvote * z_cam.reshape(-1, 1)
    imvote = imvote @ jnp.linalg.inv(DEPTH2IMG.T)
    s3 = seed_3d_exp.reshape(-1, 3)
    ray = s3 + imvote
    ray = ray / jnp.sqrt(jnp.sum(ray ** 2, axis=-1) + EPS)[:, None]
    xz = ray[:, [0, 2]] / (ray[:, [1]] + EPS) * s3[:, [1]] - s3[:, [0, 2]]
    geo_cue = jnp.concatenate([xz, ray], axis=-1).reshape(seed_num, -1, 5)
    two_cues = jnp.concatenate([geo_cue, sem_cue], axis=-1)
    two_cues = two_cues * in_bbox.astype(jnp.float32)
    feat = two_cues.shape[-1]  # 15

    pair_score = in_bbox.astype(jnp.float32)[..., 0] + bconf[..., 0]  # [seed, bbox]
    vals, idx = jax.lax.top_k(pair_score, MAX_IMVOTE)  # sorted descending
    idx_full = jnp.broadcast_to(idx[..., None], (seed_num, MAX_IMVOTE, feat))
    two_cues = jnp.take_along_axis(two_cues, idx_full, axis=1)  # [seed, k, 15]
    two_cues = jnp.transpose(two_cues, (1, 0, 2)).reshape(-1, feat).T  # [15, k*seed]
    mask = jnp.floor(vals).astype(jnp.int32)  # [seed, k]
    mask = mask.T.reshape(-1).astype(bool)  # [k*seed]

    img_flat = img.reshape(3, -1).astype(jnp.float32) / 255.0
    u = jnp.clip(jnp.round(uv_rescaled[:, 0]), 0, IMG_W - 1)
    v = jnp.clip(jnp.round(uv_rescaled[:, 1]), 0, IMG_H - 1)
    uv_flat = (jnp.round(v) * IMG_W + jnp.round(u)).astype(jnp.int32)
    txt = jnp.take(img_flat, uv_flat, axis=1)  # [3, seed]
    txt = jnp.broadcast_to(txt[:, None, :], (3, MAX_IMVOTE, seed_num)).reshape(3, -1)
    img_feature = jnp.concatenate([two_cues, txt], axis=0)  # [18, k*seed]
    return img_feature, mask


def reference(imgs, bboxes_2d_rescaled, seeds_3d_depth):
    feats, masks = [], []
    for i in range(B):
        f, m = _fuse_single(imgs[i], bboxes_2d_rescaled[i], seeds_3d_depth[i])
        feats.append(f)
        masks.append(m)
    return jnp.stack(feats, 0), jnp.stack(masks, 0)

if __name__ == "__main__":
    import jax
    _d = setup_inputs()
    print(jax.jit(kernel)(*tuple(_d.values())))

</pallas_src>

<mosaic_0001>
#map = affine_map<(d0, d1) -> (0, 0)>
#map1 = affine_map<(d0, d1) -> (0)>
#map2 = affine_map<(d0, d1) -> (0, 0, 0)>
module attributes {stable_mosaic.version = 14 : i64} {
  func.func @_sc_gather(%arg0: i32, %arg1: i32, %arg2: memref<216000x8xf32, #tpu.memory_space<hbm>>, %arg3: memref<32768xi32, #tpu.memory_space<hbm>>, %arg4: memref<2x8x16384xf32, #tpu.memory_space<hbm>>, %arg5: memref<1024xi32, #tpu.memory_space<vmem>>, %arg6: memref<1024xi32, #tpu.memory_space<vmem>>, %arg7: memref<1024xi32, #tpu.memory_space<vmem>>, %arg8: memref<1024x8xf32, #tpu.memory_space<vmem>>, %arg9: memref<1024xf32, #tpu.memory_space<vmem>>, %arg10: memref<!tpu.dma_semaphore, #tpu.memory_space<semaphore_mem>>) attributes {dimension_semantics = [#tpu.dimension_semantics<core_parallel>, #tpu.dimension_semantics<subcore_parallel>], iteration_bounds = array<i64: 2, 16>, scalar_prefetch = 0 : i64, scratch_operands = 6 : i64, tpu.core_type = #tpu.core_type<sc_vector_subcore>, window_params = [{transform_indices = #map}, {transform_indices = #map1}, {transform_indices = #map2}]} {
    %mul3A = arith.constant 2 : i32
    %mul3A_0 = arith.muli %arg1, %mul3A : i32
    %add3A = arith.addi %mul3A_0, %arg0 : i32
    %jit3A = arith.constant 16 : i32
    %div3A = arith.divsi %add3A, %jit3A : i32
    %sign3A = arith.constant 0 : i32
    %sign3A_1 = arith.cmpi sgt, %add3A, %sign3A : i32
    %sign3A_2 = arith.extui %sign3A_1 : i1 to i32
    %sign3A_3 = arith.constant 0 : i32
    %sign3A_4 = arith.cmpi slt, %add3A, %sign3A_3 : i32
    %sign3A_5 = arith.extui %sign3A_4 : i1 to i32
    %sign3A_6 = arith.subi %sign3A_2, %sign3A_5 : i32
    %sign3A_7 = arith.constant 0 : i32
    %sign3A_8 = arith.cmpi sgt, %jit3A, %sign3A_7 : i32
    %sign3A_9 = arith.extui %sign3A_8 : i1 to i32
    %sign3A_10 = arith.constant 0 : i32
    %sign3A_11 = arith.cmpi slt, %jit3A, %sign3A_10 : i32
    %sign3A_12 = arith.extui %sign3A_11 : i1 to i32
    %sign3A_13 = arith.subi %sign3A_9, %sign3A_12 : i32
    %ne3A = arith.cmpi ne, %sign3A_6, %sign3A_13 : i32
    %rem3A = arith.remsi %add3A, %jit3A : i32
    %ne3A_14 = arith.constant 0 : i32
    %ne3A_15 = arith.cmpi ne, %rem3A, %ne3A_14 : i32
    %and3A = arith.andi %ne3A, %ne3A_15 : i1
    %sub3A = arith.constant 1 : i32
    %sub3A_16 = arith.subi %div3A, %sub3A : i32
    %select_n3A = arith.select %and3A, %sub3A_16, %div3A : i32
    %jit3A_17 = arith.constant 16 : i32
    %eq3A = arith.constant 0 : i32
    %eq3A_18 = arith.cmpi eq, %jit3A_17, %eq3A : i32
    %jit3A_19 = arith.constant 1 : i32
    %select_n3A_20 = arith.select %eq3A_18, %jit3A_19, %jit3A_17 : i32
    %rem3A_21 = arith.remsi %add3A, %select_n3A_20 : i32
    %ne3A_22 = arith.constant 0 : i32
    %ne3A_23 = arith.cmpi ne, %rem3A_21, %ne3A_22 : i32
    %lt3A = arith.constant 0 : i32
    %lt3A_24 = arith.cmpi slt, %rem3A_21, %lt3A : i32
    %lt3A_25 = arith.constant 0 : i32
    %lt3A_26 = arith.cmpi slt, %select_n3A_20, %lt3A_25 : i32
    %ne3A_27 = arith.xori %lt3A_24, %lt3A_26 : i1
    %and3A_28 = arith.andi %ne3A_27, %ne3A_23 : i1
    %add3A_29 = arith.addi %rem3A_21, %select_n3A_20 : i32
    %select_n3A_30 = arith.select %and3A_28, %add3A_29, %rem3A_21 : i32
    %mul3A_31 = arith.constant 1024 : i32
    %mul3A_32 = arith.muli %select_n3A_30, %mul3A_31 : i32
    %mul3A_33 = arith.constant 1024 : i32
    %mul3A_34 = arith.muli %add3A, %mul3A_33 : i32
    "tpu.region"() ({
      %run_scoped3A_119 = tpu.sem_alloc : memref<!tpu.dma_semaphore, #tpu.memory_space<semaphore_mem>>
      %dma_start3A_120 = tpu.memref_slice %arg3[%mul3A_34] : memref<32768xi32, #tpu.memory_space<hbm>> -> memref<1024xi32, #tpu.memory_space<hbm>>
      %dma_start3A_121 = tpu.memref_slice %arg3[%mul3A_34] : memref<32768xi32, #tpu.memory_space<hbm>> -> memref<1024xi32, #tpu.memory_space<hbm>>
      tpu.enqueue_dma source(%dma_start3A_121 : memref<1024xi32, #tpu.memory_space<hbm>>) target(%arg5 : memref<1024xi32, #tpu.memory_space<vmem>>) target_semaphore(%run_scoped3A_119 : memref<!tpu.dma_semaphore, #tpu.memory_space<semaphore_mem>>)
      %dma_wait3A_122 = tpu.memref_slice %arg3[%mul3A_34] : memref<32768xi32, #tpu.memory_space<hbm>> -> memref<1024xi32, #tpu.memory_space<hbm>>
      %dma_wait3A_123 = tpu.memref_slice %arg3[%mul3A_34] : memref<32768xi32, #tpu.memory_space<hbm>> -> memref<1024xi32, #tpu.memory_space<hbm>>
      tpu.wait_dma2 semaphore(%run_scoped3A_119 : memref<!tpu.dma_semaphore, #tpu.memory_space<semaphore_mem>>) src(%dma_wait3A_123 : memref<1024xi32, #tpu.memory_space<hbm>>) dst(%arg5 : memref<1024xi32, #tpu.memory_space<vmem>>)
      tpu.yield
    }) : () -> ()
    %scan3A = arith.constant 0 : i32
    %scan3A_35 = arith.constant 0 : i32
    %scan3A_36 = arith.constant 64 : i32
    %scan3A_37 = arith.addi %scan3A_35, %scan3A_36 : i32
    %scan3A_38 = arith.constant 1 : i32
    %scan3A_39 = scf.for %scan3A_119 = %scan3A_35 to %scan3A_37 step %scan3A_38 iter_args(%scan3A_120 = %scan3A) -> (i32)  : i32 {
      %mul3A_121 = arith.constant 16 : i32
      %mul3A_122 = arith.muli %scan3A_119, %mul3A_121 : i32
      %multiple_of3A = tpu.assume_multiple %mul3A_122, 16 : i32
      %get3A = arith.index_cast %multiple_of3A : i32 to index
      %get3A_123 = tpu.vector_load %arg5[%get3A] {strides = array<i32>} : memref<1024xi32, #tpu.memory_space<vmem>>, vector<16xi32>,
      %shift_right_logical3A = arith.constant 3 : i32
      %shift_right_logical3A_124 = vector.broadcast %shift_right_logical3A : i32 to vector<16xi32>
      %shift_right_logical3A_125 = arith.shrui %get3A_123, %shift_right_logical3A_124 : vector<16xi32>
      %swap3A = arith.index_cast %multiple_of3A : i32 to index
      %swap3A_126 = tpu.vector_load %arg6[%swap3A] {strides = array<i32>} : memref<1024xi32, #tpu.memory_space<vmem>>, vector<16xi32>,
      tpu.vector_store %arg6[%swap3A], %shift_right_logical3A_125 {strides = array<i32>} : memref<1024xi32, #tpu.memory_space<vmem>>, vector<16xi32>,
      %and3A_127 = arith.constant 7 : i32
      %and3A_128 = vector.broadcast %and3A_127 : i32 to vector<16xi32>
      %and3A_129 = arith.andi %get3A_123, %and3A_128 : vector<16xi32>
      %swap3A_130 = arith.index_cast %multiple_of3A : i32 to index
      %swap3A_131 = tpu.vector_load %arg7[%swap3A_130] {strides = array<i32>} : memref<1024xi32, #tpu.memory_space<vmem>>, vector<16xi32>,
      tpu.vector_store %arg7[%swap3A_130], %and3A_129 {strides = array<i32>} : memref<1024xi32, #tpu.memory_space<vmem>>, vector<16xi32>,
      %scan3A_132 = arith.constant 0 : i32
      scf.yield %scan3A_132 : i32
    }
    %scan3A_40 = arith.constant 64 : i32
    %mul3A_41 = arith.constant 3 : i32
    %mul3A_42 = arith.muli %select_n3A, %mul3A_41 : i32
    %add3A_43 = arith.constant 0 : i32
    %add3A_44 = arith.addi %mul3A_42, %add3A_43 : i32
    %mul3A_45 = arith.constant 36000 : i32
    %mul3A_46 = arith.muli %add3A_44, %mul3A_45 : i32
    %scan3A_47 = arith.constant 0 : i32
    %scan3A_48 = arith.constant 0 : i32
    %scan3A_49 = arith.constant 64 : i32
    %scan3A_50 = arith.addi %scan3A_48, %scan3A_49 : i32
    %scan3A_51 = arith.constant 1 : i32
    %scan3A_52 = scf.for %scan3A_119 = %scan3A_48 to %scan3A_50 step %scan3A_51 iter_args(%scan3A_120 = %scan3A_47) -> (i32)  : i32 {
      %mul3A_121 = arith.constant 16 : i32
      %mul3A_122 = arith.muli %scan3A_119, %mul3A_121 : i32
      %multiple_of3A = tpu.assume_multiple %mul3A_122, 16 : i32
      %get3A = arith.index_cast %multiple_of3A : i32 to index
      %get3A_123 = tpu.vector_load %arg6[%get3A] {strides = array<i32>} : memref<1024xi32, #tpu.memory_space<vmem>>, vector<16xi32>,
      %add3A_124 = vector.broadcast %mul3A_46 : i32 to vector<16xi32>
      %add3A_125 = arith.addi %get3A_123, %add3A_124 : vector<16xi32>
      %swap3A = arith.index_cast %multiple_of3A : i32 to index
      %swap3A_126 = tpu.vector_load %arg5[%swap3A] {strides = array<i32>} : memref<1024xi32, #tpu.memory_space<vmem>>, vector<16xi32>,
      tpu.vector_store %arg5[%swap3A], %add3A_125 {strides = array<i32>} : memref<1024xi32, #tpu.memory_space<vmem>>, vector<16xi32>,
      %scan3A_127 = arith.constant 0 : i32
      scf.yield %scan3A_127 : i32
    }
    %scan3A_53 = arith.constant 64 : i32
    %dma_start3A = arith.constant 0 : i32
    %dma_start3A_54 = arith.constant 0 : i32
    %dma_start3A_55 = tpu.memref_slice %arg2[%dma_start3A, %dma_start3A_54] : memref<216000x8xf32, #tpu.memory_space<hbm>> -> memref<216000x8xf32, #tpu.memory_space<hbm>>
    tpu.enqueue_indirect_dma source(%dma_start3A_55 : memref<216000x8xf32, #tpu.memory_space<hbm>>) target(%arg8 : memref<1024x8xf32, #tpu.memory_space<vmem>>) offsets(%arg5 : memref<1024xi32, #tpu.memory_space<vmem>>) semaphore(%arg10 : memref<!tpu.dma_semaphore, #tpu.memory_space<semaphore_mem>>)
    %dma_wait3A = arith.constant 0 : i32
    %dma_wait3A_56 = arith.constant 0 : i32
    %dma_wait3A_57 = tpu.memref_slice %arg2[%dma_wait3A, %dma_wait3A_56] : memref<216000x8xf32, #tpu.memory_space<hbm>> -> memref<216000x8xf32, #tpu.memory_space<hbm>>
    tpu.wait_indirect_dma semaphore(%arg10 : memref<!tpu.dma_semaphore, #tpu.memory_space<semaphore_mem>>) src(%dma_wait3A_57 : memref<216000x8xf32, #tpu.memory_space<hbm>>) dst(%arg8 : memref<1024x8xf32, #tpu.memory_space<vmem>>)
    %scan3A_58 = arith.constant 0 : i32
    %scan3A_59 = arith.constant 0 : i32
    %scan3A_60 = arith.constant 64 : i32
    %scan3A_61 = arith.addi %scan3A_59, %scan3A_60 : i32
    %scan3A_62 = arith.constant 1 : i32
    %scan3A_63 = scf.for %scan3A_119 = %scan3A_59 to %scan3A_61 step %scan3A_62 iter_args(%scan3A_120 = %scan3A_58) -> (i32)  : i32 {
      %mul3A_121 = arith.constant 16 : i32
      %mul3A_122 = arith.muli %scan3A_119, %mul3A_121 : i32
      %multiple_of3A = tpu.assume_multiple %mul3A_122, 16 : i32
      %iota3A = tpu.iota {dimensions = array<i32: 0>} : vector<16xi32>
      %mul3A_123 = arith.constant 16 : i32
      %mul3A_124 = arith.muli %scan3A_119, %mul3A_123 : i32
      %add3A_125 = vector.broadcast %mul3A_124 : i32 to vector<16xi32>
      %add3A_126 = arith.addi %iota3A, %add3A_125 : vector<16xi32>
      %get3A = arith.index_cast %multiple_of3A : i32 to index
      %get3A_127 = tpu.vector_load %arg7[%get3A] {strides = array<i32>} : memref<1024xi32, #tpu.memory_space<vmem>>, vector<16xi32>,
      %gather3A = tpu.vector_load_idx %arg8[%add3A_126, %get3A_127] : memref<1024x8xf32, #tpu.memory_space<vmem>>[vector<16xi32>, vector<16xi32>], vector<16xf32>,
      %div3A_128 = arith.constant 2.550000e+02 : f32
      %div3A_129 = vector.broadcast %div3A_128 : f32 to vector<16xf32>
      %div3A_130 = arith.divf %gather3A, %div3A_129 : vector<16xf32>
      %swap3A = arith.index_cast %multiple_of3A : i32 to index
      %swap3A_131 = tpu.vector_load %arg9[%swap3A] {strides = array<i32>} : memref<1024xf32, #tpu.memory_space<vmem>>, vector<16xf32>,
      tpu.vector_store %arg9[%swap3A], %div3A_130 {strides = array<i32>} : memref<1024xf32, #tpu.memory_space<vmem>>, vector<16xf32>,
      %scan3A_132 = arith.constant 0 : i32
      scf.yield %scan3A_132 : i32
    }
    %scan3A_64 = arith.constant 64 : i32
    %run_scoped3A = arith.constant 0 : i32
    "tpu.region"() ({
      %run_scoped3A_119 = tpu.sem_alloc : memref<!tpu.dma_semaphore, #tpu.memory_space<semaphore_mem>>
      %dma_start3A_120 = tpu.memref_slice %arg4[%select_n3A, %run_scoped3A, %mul3A_32] : memref<2x8x16384xf32, #tpu.memory_space<hbm>> -> memref<1x1x1024xf32, #tpu.memory_space<hbm>>
      %dma_start3A_121 = tpu.memref_squeeze %dma_start3A_120 : memref<1x1x1024xf32, #tpu.memory_space<hbm>> -> memref<1024xf32, #tpu.memory_space<hbm>>
      %dma_start3A_122 = tpu.memref_slice %arg4[%select_n3A, %run_scoped3A, %mul3A_32] : memref<2x8x16384xf32, #tpu.memory_space<hbm>> -> memref<1x1x1024xf32, #tpu.memory_space<hbm>>
      %dma_start3A_123 = tpu.memref_squeeze %dma_start3A_122 : memref<1x1x1024xf32, #tpu.memory_space<hbm>> -> memref<1024xf32, #tpu.memory_space<hbm>>
      tpu.enqueue_dma source(%arg9 : memref<1024xf32, #tpu.memory_space<vmem>>) target(%dma_start3A_123 : memref<1024xf32, #tpu.memory_space<hbm>>) target_semaphore(%run_scoped3A_119 : memref<!tpu.dma_semaphore, #tpu.memory_space<semaphore_mem>>)
      %dma_wait3A_124 = tpu.memref_slice %arg4[%select_n3A, %run_scoped3A, %mul3A_32] : memref<2x8x16384xf32, #tpu.memory_space<hbm>> -> memref<1x1x1024xf32, #tpu.memory_space<hbm>>
      %dma_wait3A_125 = tpu.memref_squeeze %dma_wait3A_124 : memref<1x1x1024xf32, #tpu.memory_space<hbm>> -> memref<1024xf32, #tpu.memory_space<hbm>>
      %dma_wait3A_126 = tpu.memref_slice %arg4[%select_n3A, %run_scoped3A, %mul3A_32] : memref<2x8x16384xf32, #tpu.memory_space<hbm>> -> memref<1x1x1024xf32, #tpu.memory_space<hbm>>
      %dma_wait3A_127 = tpu.memref_squeeze %dma_wait3A_126 : memref<1x1x1024xf32, #tpu.memory_space<hbm>> -> memref<1024xf32, #tpu.memory_space<hbm>>
      tpu.wait_dma2 semaphore(%run_scoped3A_119 : memref<!tpu.dma_semaphore, #tpu.memory_space<semaphore_mem>>) src(%arg9 : memref<1024xf32, #tpu.memory_space<vmem>>) dst(%dma_wait3A_127 : memref<1024xf32, #tpu.memory_space<hbm>>)
      tpu.yield
    }) : () -> ()
    %mul3A_65 = arith.constant 3 : i32
    %mul3A_66 = arith.muli %select_n3A, %mul3A_65 : i32
    %add3A_67 = arith.constant 1 : i32
    %add3A_68 = arith.addi %mul3A_66, %add3A_67 : i32
    %mul3A_69 = arith.constant 36000 : i32
    %mul3A_70 = arith.muli %add3A_68, %mul3A_69 : i32
    %scan3A_71 = arith.constant 0 : i32
    %scan3A_72 = arith.constant 0 : i32
    %scan3A_73 = arith.constant 64 : i32
    %scan3A_74 = arith.addi %scan3A_72, %scan3A_73 : i32
    %scan3A_75 = arith.constant 1 : i32
    %scan3A_76 = scf.for %scan3A_119 = %scan3A_72 to %scan3A_74 step %scan3A_75 iter_args(%scan3A_120 = %scan3A_71) -> (i32)  : i32 {
      %mul3A_121 = arith.constant 16 : i32
      %mul3A_122 = arith.muli %scan3A_119, %mul3A_121 : i32
      %multiple_of3A = tpu.assume_multiple %mul3A_122, 16 : i32
      %get3A = arith.index_cast %multiple_of3A : i32 to index
      %get3A_123 = tpu.vector_load %arg6[%get3A] {strides = array<i32>} : memref<1024xi32, #tpu.memory_space<vmem>>, vector<16xi32>,
      %add3A_124 = vector.broadcast %mul3A_70 : i32 to vector<16xi32>
      %add3A_125 = arith.addi %get3A_123, %add3A_124 : vector<16xi32>
      %swap3A = arith.index_cast %multiple_of3A : i32 to index
      %swap3A_126 = tpu.vector_load %arg5[%swap3A] {strides = array<i32>} : memref<1024xi32, #tpu.memory_space<vmem>>, vector<16xi32>,
      tpu.vector_store %arg5[%swap3A], %add3A_125 {strides = array<i32>} : memref<1024xi32, #tpu.memory_space<vmem>>, vector<16xi32>,
      %scan3A_127 = arith.constant 0 : i32
      scf.yield %scan3A_127 : i32
    }
    %scan3A_77 = arith.constant 64 : i32
    %dma_start3A_78 = arith.constant 0 : i32
    %dma_start3A_79 = arith.constant 0 : i32
    %dma_start3A_80 = tpu.memref_slice %arg2[%dma_start3A_78, %dma_start3A_79] : memref<216000x8xf32, #tpu.memory_space<hbm>> -> memref<216000x8xf32, #tpu.memory_space<hbm>>
    tpu.enqueue_indirect_dma source(%dma_start3A_80 : memref<216000x8xf32, #tpu.memory_space<hbm>>) target(%arg8 : memref<1024x8xf32, #tpu.memory_space<vmem>>) offsets(%arg5 : memref<1024xi32, #tpu.memory_space<vmem>>) semaphore(%arg10 : memref<!tpu.dma_semaphore, #tpu.memory_space<semaphore_mem>>)
    %dma_wait3A_81 = arith.constant 0 : i32
    %dma_wait3A_82 = arith.constant 0 : i32
    %dma_wait3A_83 = tpu.memref_slice %arg2[%dma_wait3A_81, %dma_wait3A_82] : memref<216000x8xf32, #tpu.memory_space<hbm>> -> memref<216000x8xf32, #tpu.memory_space<hbm>>
    tpu.wait_indirect_dma semaphore(%arg10 : memref<!tpu.dma_semaphore, #tpu.memory_space<semaphore_mem>>) src(%dma_wait3A_83 : memref<216000x8xf32, #tpu.memory_space<hbm>>) dst(%arg8 : memref<1024x8xf32, #tpu.memory_space<vmem>>)
    %scan3A_84 = arith.constant 0 : i32
    %scan3A_85 = arith.constant 0 : i32
    %scan3A_86 = arith.constant 64 : i32
    %scan3A_87 = arith.addi %scan3A_85, %scan3A_86 : i32
    %scan3A_88 = arith.constant 1 : i32
    %scan3A_89 = scf.for %scan3A_119 = %scan3A_85 to %scan3A_87 step %scan3A_88 iter_args(%scan3A_120 = %scan3A_84) -> (i32)  : i32 {
      %mul3A_121 = arith.constant 16 : i32
      %mul3A_122 = arith.muli %scan3A_119, %mul3A_121 : i32
      %multiple_of3A = tpu.assume_multiple %mul3A_122, 16 : i32
      %iota3A = tpu.iota {dimensions = array<i32: 0>} : vector<16xi32>
      %mul3A_123 = arith.constant 16 : i32
      %mul3A_124 = arith.muli %scan3A_119, %mul3A_123 : i32
      %add3A_125 = vector.broadcast %mul3A_124 : i32 to vector<16xi32>
      %add3A_126 = arith.addi %iota3A, %add3A_125 : vector<16xi32>
      %get3A = arith.index_cast %multiple_of3A : i32 to index
      %get3A_127 = tpu.vector_load %arg7[%get3A] {strides = array<i32>} : memref<1024xi32, #tpu.memory_space<vmem>>, vector<16xi32>,
      %gather3A = tpu.vector_load_idx %arg8[%add3A_126, %get3A_127] : memref<1024x8xf32, #tpu.memory_space<vmem>>[vector<16xi32>, vector<16xi32>], vector<16xf32>,
      %div3A_128 = arith.constant 2.550000e+02 : f32
      %div3A_129 = vector.broadcast %div3A_128 : f32 to vector<16xf32>
      %div3A_130 = arith.divf %gather3A, %div3A_129 : vector<16xf32>
      %swap3A = arith.index_cast %multiple_of3A : i32 to index
      %swap3A_131 = tpu.vector_load %arg9[%swap3A] {strides = array<i32>} : memref<1024xf32, #tpu.memory_space<vmem>>, vector<16xf32>,
      tpu.vector_store %arg9[%swap3A], %div3A_130 {strides = array<i32>} : memref<1024xf32, #tpu.memory_space<vmem>>, vector<16xf32>,
      %scan3A_132 = arith.constant 0 : i32
      scf.yield %scan3A_132 : i32
    }
    %scan3A_90 = arith.constant 64 : i32
    %run_scoped3A_91 = arith.constant 1 : i32
    "tpu.region"() ({
      %run_scoped3A_119 = tpu.sem_alloc : memref<!tpu.dma_semaphore, #tpu.memory_space<semaphore_mem>>
      %dma_start3A_120 = tpu.memref_slice %arg4[%select_n3A, %run_scoped3A_91, %mul3A_32] : memref<2x8x16384xf32, #tpu.memory_space<hbm>> -> memref<1x1x1024xf32, #tpu.memory_space<hbm>>
      %dma_start3A_121 = tpu.memref_squeeze %dma_start3A_120 : memref<1x1x1024xf32, #tpu.memory_space<hbm>> -> memref<1024xf32, #tpu.memory_space<hbm>>
      %dma_start3A_122 = tpu.memref_slice %arg4[%select_n3A, %run_scoped3A_91, %mul3A_32] : memref<2x8x16384xf32, #tpu.memory_space<hbm>> -> memref<1x1x1024xf32, #tpu.memory_space<hbm>>
      %dma_start3A_123 = tpu.memref_squeeze %dma_start3A_122 : memref<1x1x1024xf32, #tpu.memory_space<hbm>> -> memref<1024xf32, #tpu.memory_space<hbm>>
      tpu.enqueue_dma source(%arg9 : memref<1024xf32, #tpu.memory_space<vmem>>) target(%dma_start3A_123 : memref<1024xf32, #tpu.memory_space<hbm>>) target_semaphore(%run_scoped3A_119 : memref<!tpu.dma_semaphore, #tpu.memory_space<semaphore_mem>>)
      %dma_wait3A_124 = tpu.memref_slice %arg4[%select_n3A, %run_scoped3A_91, %mul3A_32] : memref<2x8x16384xf32, #tpu.memory_space<hbm>> -> memref<1x1x1024xf32, #tpu.memory_space<hbm>>
      %dma_wait3A_125 = tpu.memref_squeeze %dma_wait3A_124 : memref<1x1x1024xf32, #tpu.memory_space<hbm>> -> memref<1024xf32, #tpu.memory_space<hbm>>
      %dma_wait3A_126 = tpu.memref_slice %arg4[%select_n3A, %run_scoped3A_91, %mul3A_32] : memref<2x8x16384xf32, #tpu.memory_space<hbm>> -> memref<1x1x1024xf32, #tpu.memory_space<hbm>>
      %dma_wait3A_127 = tpu.memref_squeeze %dma_wait3A_126 : memref<1x1x1024xf32, #tpu.memory_space<hbm>> -> memref<1024xf32, #tpu.memory_space<hbm>>
      tpu.wait_dma2 semaphore(%run_scoped3A_119 : memref<!tpu.dma_semaphore, #tpu.memory_space<semaphore_mem>>) src(%arg9 : memref<1024xf32, #tpu.memory_space<vmem>>) dst(%dma_wait3A_127 : memref<1024xf32, #tpu.memory_space<hbm>>)
      tpu.yield
    }) : () -> ()
    %mul3A_92 = arith.constant 3 : i32
    %mul3A_93 = arith.muli %select_n3A, %mul3A_92 : i32
    %add3A_94 = arith.constant 2 : i32
    %add3A_95 = arith.addi %mul3A_93, %add3A_94 : i32
    %mul3A_96 = arith.constant 36000 : i32
    %mul3A_97 = arith.muli %add3A_95, %mul3A_96 : i32
    %scan3A_98 = arith.constant 0 : i32
    %scan3A_99 = arith.constant 0 : i32
    %scan3A_100 = arith.constant 64 : i32
    %scan3A_101 = arith.addi %scan3A_99, %scan3A_100 : i32
    %scan3A_102 = arith.constant 1 : i32
    %scan3A_103 = scf.for %scan3A_119 = %scan3A_99 to %scan3A_101 step %scan3A_102 iter_args(%scan3A_120 = %scan3A_98) -> (i32)  : i32 {
      %mul3A_121 = arith.constant 16 : i32
      %mul3A_122 = arith.muli %scan3A_119, %mul3A_121 : i32
      %multiple_of3A = tpu.assume_multiple %mul3A_122, 16 : i32
      %get3A = arith.index_cast %multiple_of3A : i32 to index
      %get3A_123 = tpu.vector_load %arg6[%get3A] {strides = array<i32>} : memref<1024xi32, #tpu.memory_space<vmem>>, vector<16xi32>,
      %add3A_124 = vector.broadcast %mul3A_97 : i32 to vector<16xi32>
      %add3A_125 = arith.addi %get3A_123, %add3A_124 : vector<16xi32>
      %swap3A = arith.index_cast %multiple_of3A : i32 to index
      %swap3A_126 = tpu.vector_load %arg5[%swap3A] {strides = array<i32>} : memref<1024xi32, #tpu.memory_space<vmem>>, vector<16xi32>,
      tpu.vector_store %arg5[%swap3A], %add3A_125 {strides = array<i32>} : memref<1024xi32, #tpu.memory_space<vmem>>, vector<16xi32>,
      %scan3A_127 = arith.constant 0 : i32
      scf.yield %scan3A_127 : i32
    }
    %scan3A_104 = arith.constant 64 : i32
    %dma_start3A_105 = arith.constant 0 : i32
    %dma_start3A_106 = arith.constant 0 : i32
    %dma_start3A_107 = tpu.memref_slice %arg2[%dma_start3A_105, %dma_start3A_106] : memref<216000x8xf32, #tpu.memory_space<hbm>> -> memref<216000x8xf32, #tpu.memory_space<hbm>>
    tpu.enqueue_indirect_dma source(%dma_start3A_107 : memref<216000x8xf32, #tpu.memory_space<hbm>>) target(%arg8 : memref<1024x8xf32, #tpu.memory_space<vmem>>) offsets(%arg5 : memref<1024xi32, #tpu.memory_space<vmem>>) semaphore(%arg10 : memref<!tpu.dma_semaphore, #tpu.memory_space<semaphore_mem>>)
    %dma_wait3A_108 = arith.constant 0 : i32
    %dma_wait3A_109 = arith.constant 0 : i32
    %dma_wait3A_110 = tpu.memref_slice %arg2[%dma_wait3A_108, %dma_wait3A_109] : memref<216000x8xf32, #tpu.memory_space<hbm>> -> memref<216000x8xf32, #tpu.memory_space<hbm>>
    tpu.wait_indirect_dma semaphore(%arg10 : memref<!tpu.dma_semaphore, #tpu.memory_space<semaphore_mem>>) src(%dma_wait3A_110 : memref<216000x8xf32, #tpu.memory_space<hbm>>) dst(%arg8 : memref<1024x8xf32, #tpu.memory_space<vmem>>)
    %scan3A_111 = arith.constant 0 : i32
    %scan3A_112 = arith.constant 0 : i32
    %scan3A_113 = arith.constant 64 : i32
    %scan3A_114 = arith.addi %scan3A_112, %scan3A_113 : i32
    %scan3A_115 = arith.constant 1 : i32
    %scan3A_116 = scf.for %scan3A_119 = %scan3A_112 to %scan3A_114 step %scan3A_115 iter_args(%scan3A_120 = %scan3A_111) -> (i32)  : i32 {
      %mul3A_121 = arith.constant 16 : i32
      %mul3A_122 = arith.muli %scan3A_119, %mul3A_121 : i32
      %multiple_of3A = tpu.assume_multiple %mul3A_122, 16 : i32
      %iota3A = tpu.iota {dimensions = array<i32: 0>} : vector<16xi32>
      %mul3A_123 = arith.constant 16 : i32
      %mul3A_124 = arith.muli %scan3A_119, %mul3A_123 : i32
      %add3A_125 = vector.broadcast %mul3A_124 : i32 to vector<16xi32>
      %add3A_126 = arith.addi %iota3A, %add3A_125 : vector<16xi32>
      %get3A = arith.index_cast %multiple_of3A : i32 to index
      %get3A_127 = tpu.vector_load %arg7[%get3A] {strides = array<i32>} : memref<1024xi32, #tpu.memory_space<vmem>>, vector<16xi32>,
      %gather3A = tpu.vector_load_idx %arg8[%add3A_126, %get3A_127] : memref<1024x8xf32, #tpu.memory_space<vmem>>[vector<16xi32>, vector<16xi32>], vector<16xf32>,
      %div3A_128 = arith.constant 2.550000e+02 : f32
      %div3A_129 = vector.broadcast %div3A_128 : f32 to vector<16xf32>
      %div3A_130 = arith.divf %gather3A, %div3A_129 : vector<16xf32>
      %swap3A = arith.index_cast %multiple_of3A : i32 to index
      %swap3A_131 = tpu.vector_load %arg9[%swap3A] {strides = array<i32>} : memref<1024xf32, #tpu.memory_space<vmem>>, vector<16xf32>,
      tpu.vector_store %arg9[%swap3A], %div3A_130 {strides = array<i32>} : memref<1024xf32, #tpu.memory_space<vmem>>, vector<16xf32>,
      %scan3A_132 = arith.constant 0 : i32
      scf.yield %scan3A_132 : i32
    }
    %scan3A_117 = arith.constant 64 : i32
    %run_scoped3A_118 = arith.constant 2 : i32
    "tpu.region"() ({
      %run_scoped3A_119 = tpu.sem_alloc : memref<!tpu.dma_semaphore, #tpu.memory_space<semaphore_mem>>
      %dma_start3A_120 = tpu.memref_slice %arg4[%select_n3A, %run_scoped3A_118, %mul3A_32] : memref<2x8x16384xf32, #tpu.memory_space<hbm>> -> memref<1x1x1024xf32, #tpu.memory_space<hbm>>
      %dma_start3A_121 = tpu.memref_squeeze %dma_start3A_120 : memref<1x1x1024xf32, #tpu.memory_space<hbm>> -> memref<1024xf32, #tpu.memory_space<hbm>>
      %dma_start3A_122 = tpu.memref_slice %arg4[%select_n3A, %run_scoped3A_118, %mul3A_32] : memref<2x8x16384xf32, #tpu.memory_space<hbm>> -> memref<1x1x1024xf32, #tpu.memory_space<hbm>>
      %dma_start3A_123 = tpu.memref_squeeze %dma_start3A_122 : memref<1x1x1024xf32, #tpu.memory_space<hbm>> -> memref<1024xf32, #tpu.memory_space<hbm>>
      tpu.enqueue_dma source(%arg9 : memref<1024xf32, #tpu.memory_space<vmem>>) target(%dma_start3A_123 : memref<1024xf32, #tpu.memory_space<hbm>>) target_semaphore(%run_scoped3A_119 : memref<!tpu.dma_semaphore, #tpu.memory_space<semaphore_mem>>)
      %dma_wait3A_124 = tpu.memref_slice %arg4[%select_n3A, %run_scoped3A_118, %mul3A_32] : memref<2x8x16384xf32, #tpu.memory_space<hbm>> -> memref<1x1x1024xf32, #tpu.memory_space<hbm>>
      %dma_wait3A_125 = tpu.memref_squeeze %dma_wait3A_124 : memref<1x1x1024xf32, #tpu.memory_space<hbm>> -> memref<1024xf32, #tpu.memory_space<hbm>>
      %dma_wait3A_126 = tpu.memref_slice %arg4[%select_n3A, %run_scoped3A_118, %mul3A_32] : memref<2x8x16384xf32, #tpu.memory_space<hbm>> -> memref<1x1x1024xf32, #tpu.memory_space<hbm>>
      %dma_wait3A_127 = tpu.memref_squeeze %dma_wait3A_126 : memref<1x1x1024xf32, #tpu.memory_space<hbm>> -> memref<1024xf32, #tpu.memory_space<hbm>>
      tpu.wait_dma2 semaphore(%run_scoped3A_119 : memref<!tpu.dma_semaphore, #tpu.memory_space<semaphore_mem>>) src(%arg9 : memref<1024xf32, #tpu.memory_space<vmem>>) dst(%dma_wait3A_127 : memref<1024xf32, #tpu.memory_space<hbm>>)
      tpu.yield
    }) : () -> ()
    return
  }
}

module attributes {stable_mosaic.version = 14 : i64} {
  func.func @_pix_body(%arg0: i32, %arg1: i32, %arg2: memref<1x3x16384xf32, #tpu.memory_space<vmem>>, %arg3: memref<1x1x16384xi32, #tpu.memory_space<vmem>>) attributes {dimension_semantics = [#tpu.dimension_semantics<parallel>, #tpu.dimension_semantics<parallel>], iteration_bounds = array<i64: 2, 1>, scalar_prefetch = 0 : i64, scratch_operands = 0 : i64, tpu.core_type = #tpu.core_type<tc>, window_params = [{transform_indices = @transform_0, window_bounds = array<i64: 1, 3, 16384>}, {transform_indices = @transform_1, window_bounds = array<i64: 1, 1, 16384>}]} {
    %get3A = arith.constant 0 : index
    %get3A_0 = arith.constant 0 : index
    %get3A_1 = arith.constant 0 : index
    %get3A_2 = vector.load %arg2[%get3A, %get3A_0, %get3A_1] : memref<1x3x16384xf32, #tpu.memory_space<vmem>>, vector<1x1x16384xf32>
    %get3A_3 = vector.shape_cast %get3A_2 : vector<1x1x16384xf32> to vector<1x16384xf32>
    %get3A_4 = arith.constant 0 : index
    %get3A_5 = arith.constant 1 : index
    %get3A_6 = arith.constant 0 : index
    %get3A_7 = vector.load %arg2[%get3A_4, %get3A_5, %get3A_6] : memref<1x3x16384xf32, #tpu.memory_space<vmem>>, vector<1x1x16384xf32>
    %get3A_8 = vector.shape_cast %get3A_7 : vector<1x1x16384xf32> to vector<1x16384xf32>
    %get3A_9 = arith.constant 0 : index
    %get3A_10 = arith.constant 2 : index
    %get3A_11 = arith.constant 0 : index
    %get3A_12 = vector.load %arg2[%get3A_9, %get3A_10, %get3A_11] : memref<1x3x16384xf32, #tpu.memory_space<vmem>>, vector<1x1x16384xf32>
    %get3A_13 = vector.shape_cast %get3A_12 : vector<1x1x16384xf32> to vector<1x16384xf32>
    %convert_element_type3A = arith.truncf %get3A_3 : vector<1x16384xf32> to vector<1x16384xbf16>
    %convert_element_type3A_14 = arith.extf %convert_element_type3A : vector<1x16384xbf16> to vector<1x16384xf32>
    %convert_element_type3A_15 = arith.truncf %get3A_8 : vector<1x16384xf32> to vector<1x16384xbf16>
    %convert_element_type3A_16 = arith.extf %convert_element_type3A_15 : vector<1x16384xbf16> to vector<1x16384xf32>
    %convert_element_type3A_17 = arith.truncf %get3A_13 : vector<1x16384xf32> to vector<1x16384xbf16>
    %convert_element_type3A_18 = arith.extf %convert_element_type3A_17 : vector<1x16384xbf16> to vector<1x16384xf32>
    %mul3A = arith.constant 5.280000e+02 : f32
    %mul3A_19 = vector.broadcast %mul3A : f32 to vector<1x16384xf32>
    %mul3A_20 = arith.mulf %mul3A_19, %convert_element_type3A_14 : vector<1x16384xf32>
    %mul3A_21 = arith.constant 3.000000e+02 : f32
    %mul3A_22 = vector.broadcast %mul3A_21 : f32 to vector<1x16384xf32>
    %mul3A_23 = arith.mulf %mul3A_22, %convert_element_type3A_16 : vector<1x16384xf32>
    %add3A = arith.addf %mul3A_20, %mul3A_23 : vector<1x16384xf32>
    %mul3A_24 = arith.constant 2.400000e+02 : f32
    %mul3A_25 = vector.broadcast %mul3A_24 : f32 to vector<1x16384xf32>
    %mul3A_26 = arith.mulf %mul3A_25, %convert_element_type3A_16 : vector<1x16384xf32>
    %mul3A_27 = arith.constant 5.280000e+02 : f32
    %mul3A_28 = vector.broadcast %mul3A_27 : f32 to vector<1x16384xf32>
    %mul3A_29 = arith.mulf %mul3A_28, %convert_element_type3A_18 : vector<1x16384xf32>
    %sub3A = arith.subf %mul3A_26, %mul3A_29 : vector<1x16384xf32>
    %div3A = arith.divf %add3A, %convert_element_type3A_16 : vector<1x16384xf32>
    %sub3A_30 = arith.constant 1.000000e+00 : f32
    %sub3A_31 = vector.broadcast %sub3A_30 : f32 to vector<1x16384xf32>
    %sub3A_32 = arith.subf %div3A, %sub3A_31 : vector<1x16384xf32>
    %round3A = math.roundeven %sub3A_32 : vector<1x16384xf32>
    %div3A_33 = arith.divf %sub3A, %convert_element_type3A_16 : vector<1x16384xf32>
    %sub3A_34 = arith.constant 1.000000e+00 : f32
    %sub3A_35 = vector.broadcast %sub3A_34 : f32 to vector<1x16384xf32>
    %sub3A_36 = arith.subf %div3A_33, %sub3A_35 : vector<1x16384xf32>
    %round3A_37 = math.roundeven %sub3A_36 : vector<1x16384xf32>
    %jit3A = arith.constant 0.000000e+00 : f32
    %jit3A_38 = arith.constant 5.990000e+02 : f32
    %max3A = vector.broadcast %jit3A : f32 to vector<1x16384xf32>
    %max3A_39 = arith.maximumf %max3A, %round3A : vector<1x16384xf32>
    %min3A = vector.broadcast %jit3A_38 : f32 to vector<1x16384xf32>
    %min3A_40 = arith.minimumf %min3A, %max3A_39 : vector<1x16384xf32>
    %jit3A_41 = arith.constant 0.000000e+00 : f32
    %jit3A_42 = arith.constant 4.790000e+02 : f32
    %max3A_43 = vector.broadcast %jit3A_41 : f32 to vector<1x16384xf32>
    %max3A_44 = arith.maximumf %max3A_43, %round3A_37 : vector<1x16384xf32>
    %min3A_45 = vector.broadcast %jit3A_42 : f32 to vector<1x16384xf32>
    %min3A_46 = arith.minimumf %min3A_45, %max3A_44 : vector<1x16384xf32>
    %mul3A_47 = arith.constant 6.000000e+02 : f32
    %mul3A_48 = vector.broadcast %mul3A_47 : f32 to vector<1x16384xf32>
    %mul3A_49 = arith.mulf %min3A_46, %mul3A_48 : vector<1x16384xf32>
    %add3A_50 = arith.addf %mul3A_49, %min3A_40 : vector<1x16384xf32>
    %convert_element_type3A_51 = arith.fptosi %add3A_50 : vector<1x16384xf32> to vector<1x16384xi32>
    %swap3A = arith.constant 0 : index
    %swap3A_52 = arith.constant 0 : index
    %swap3A_53 = arith.constant 0 : index
    %swap3A_54 = vector.load %arg3[%swap3A, %swap3A_52, %swap3A_53] : memref<1x1x16384xi32, #tpu.memory_space<vmem>>, vector<1x1x16384xi32>
    %swap3A_55 = vector.shape_cast %swap3A_54 : vector<1x1x16384xi32> to vector<1x16384xi32>
    %swap3A_56 = vector.shape_cast %convert_element_type3A_51 : vector<1x16384xi32> to vector<1x1x16384xi32>
    tpu.vector_store %arg3[%swap3A, %swap3A_52, %swap3A_53], %swap3A_56 {strides = array<i32>} : memref<1x1x16384xi32, #tpu.memory_space<vmem>>, vector<1x1x16384xi32>,
    return
  }
  func.func @transform_0(%arg0: i32, %arg1: i32) -> (i32, i32, i32) {
    %c0_i32 = arith.constant 0 : i32
    %c0_i32_0 = arith.constant 0 : i32
    return %arg0, %c0_i32, %arg1 : i32, i32, i32
  }
  func.func @transform_1(%arg0: i32, %arg1: i32) -> (i32, i32, i32) {
    %c0_i32 = arith.constant 0 : i32
    %c0_i32_0 = arith.constant 0 : i32
    return %arg0, %c0_i32, %arg1 : i32, i32, i32
  }
}

module attributes {stable_mosaic.version = 14 : i64} {
  func.func @_tc_body(%arg0: i32, %arg1: i32, %arg2: memref<1x3x16384xf32, #tpu.memory_space<vmem>>, %arg3: memref<1x128x6xf32, #tpu.memory_space<vmem>>, %arg4: memref<1x8x16384xf32, #tpu.memory_space<vmem>>, %arg5: memref<1x18x49152xf32, #tpu.memory_space<vmem>>, %arg6: memref<2x49152xi32, #tpu.memory_space<vmem>>) attributes {dimension_semantics = [#tpu.dimension_semantics<parallel>, #tpu.dimension_semantics<arbitrary>], iteration_bounds = array<i64: 2, 1>, scalar_prefetch = 0 : i64, scratch_operands = 0 : i64, tpu.core_type = #tpu.core_type<tc>, window_params = [{transform_indices = @transform_0, window_bounds = array<i64: 1, 3, 16384>}, {transform_indices = @transform_1, window_bounds = array<i64: 1, 128, 6>}, {transform_indices = @transform_2, window_bounds = array<i64: 1, 8, 16384>}, {transform_indices = @transform_3, window_bounds = array<i64: 1, 18, 49152>}, {pipeline_mode = #tpu.pipeline_mode<synchronous>, transform_indices = @transform_4, window_bounds = array<i64: 2, 49152>}]} {
    %mul3A = arith.constant 16384 : i32
    %mul3A_0 = arith.muli %arg1, %mul3A : i32
    %multiple_of3A = tpu.assume_multiple %mul3A_0, 16384 : i32
    %get3A = arith.constant 0 : index
    %get3A_1 = arith.constant 0 : index
    %get3A_2 = arith.constant 0 : index
    %get3A_3 = vector.load %arg2[%get3A, %get3A_1, %get3A_2] : memref<1x3x16384xf32, #tpu.memory_space<vmem>>, vector<1x1x16384xf32>
    %get3A_4 = vector.shape_cast %get3A_3 : vector<1x1x16384xf32> to vector<1x16384xf32>
    %get3A_5 = arith.constant 0 : index
    %get3A_6 = arith.constant 1 : index
    %get3A_7 = arith.constant 0 : index
    %get3A_8 = vector.load %arg2[%get3A_5, %get3A_6, %get3A_7] : memref<1x3x16384xf32, #tpu.memory_space<vmem>>, vector<1x1x16384xf32>
    %get3A_9 = vector.shape_cast %get3A_8 : vector<1x1x16384xf32> to vector<1x16384xf32>
    %get3A_10 = arith.constant 0 : index
    %get3A_11 = arith.constant 2 : index
    %get3A_12 = arith.constant 0 : index
    %get3A_13 = vector.load %arg2[%get3A_10, %get3A_11, %get3A_12] : memref<1x3x16384xf32, #tpu.memory_space<vmem>>, vector<1x1x16384xf32>
    %get3A_14 = vector.shape_cast %get3A_13 : vector<1x1x16384xf32> to vector<1x16384xf32>
    %convert_element_type3A = arith.truncf %get3A_4 : vector<1x16384xf32> to vector<1x16384xbf16>
    %convert_element_type3A_15 = arith.extf %convert_element_type3A : vector<1x16384xbf16> to vector<1x16384xf32>
    %convert_element_type3A_16 = arith.truncf %get3A_9 : vector<1x16384xf32> to vector<1x16384xbf16>
    %convert_element_type3A_17 = arith.extf %convert_element_type3A_16 : vector<1x16384xbf16> to vector<1x16384xf32>
    %convert_element_type3A_18 = arith.truncf %get3A_14 : vector<1x16384xf32> to vector<1x16384xbf16>
    %convert_element_type3A_19 = arith.extf %convert_element_type3A_18 : vector<1x16384xbf16> to vector<1x16384xf32>
    %mul3A_20 = arith.constant 5.280000e+02 : f32
    %mul3A_21 = vector.broadcast %mul3A_20 : f32 to vector<1x16384xf32>
    %mul3A_22 = arith.mulf %mul3A_21, %convert_element_type3A_15 : vector<1x16384xf32>
    %mul3A_23 = arith.constant 3.000000e+02 : f32
    %mul3A_24 = vector.broadcast %mul3A_23 : f32 to vector<1x16384xf32>
    %mul3A_25 = arith.mulf %mul3A_24, %convert_element_type3A_17 : vector<1x16384xf32>
    %add3A = arith.addf %mul3A_22, %mul3A_25 : vector<1x16384xf32>
    %mul3A_26 = arith.constant 2.400000e+02 : f32
    %mul3A_27 = vector.broadcast %mul3A_26 : f32 to vector<1x16384xf32>
    %mul3A_28 = arith.mulf %mul3A_27, %convert_element_type3A_17 : vector<1x16384xf32>
    %mul3A_29 = arith.constant 5.280000e+02 : f32
    %mul3A_30 = vector.broadcast %mul3A_29 : f32 to vector<1x16384xf32>
    %mul3A_31 = arith.mulf %mul3A_30, %convert_element_type3A_19 : vector<1x16384xf32>
    %sub3A = arith.subf %mul3A_28, %mul3A_31 : vector<1x16384xf32>
    %div3A = arith.divf %add3A, %convert_element_type3A_17 : vector<1x16384xf32>
    %sub3A_32 = arith.constant 1.000000e+00 : f32
    %sub3A_33 = vector.broadcast %sub3A_32 : f32 to vector<1x16384xf32>
    %sub3A_34 = arith.subf %div3A, %sub3A_33 : vector<1x16384xf32>
    %round3A = math.roundeven %sub3A_34 : vector<1x16384xf32>
    %div3A_35 = arith.divf %sub3A, %convert_element_type3A_17 : vector<1x16384xf32>
    %sub3A_36 = arith.constant 1.000000e+00 : f32
    %sub3A_37 = vector.broadcast %sub3A_36 : f32 to vector<1x16384xf32>
    %sub3A_38 = arith.subf %div3A_35, %sub3A_37 : vector<1x16384xf32>
    %round3A_39 = math.roundeven %sub3A_38 : vector<1x16384xf32>
    %get3A_40 = arith.constant 0 : index
    %get3A_41 = arith.constant 0 : index
    %get3A_42 = arith.constant 0 : index
    %get3A_43 = vector.load %arg3[%get3A_40, %get3A_41, %get3A_42] : memref<1x128x6xf32, #tpu.memory_space<vmem>>, vector<1x128x1xf32>
    %get3A_44 = vector.shape_cast %get3A_43 : vector<1x128x1xf32> to vector<128x1xf32>
    %get3A_45 = arith.constant 0 : index
    %get3A_46 = arith.constant 0 : index
    %get3A_47 = arith.constant 1 : index
    %get3A_48 = vector.load %arg3[%get3A_45, %get3A_46, %get3A_47] : memref<1x128x6xf32, #tpu.memory_space<vmem>>, vector<1x128x1xf32>
    %get3A_49 = vector.shape_cast %get3A_48 : vector<1x128x1xf32> to vector<128x1xf32>
    %get3A_50 = arith.constant 0 : index
    %get3A_51 = arith.constant 0 : index
    %get3A_52 = arith.constant 2 : index
    %get3A_53 = vector.load %arg3[%get3A_50, %get3A_51, %get3A_52] : memref<1x128x6xf32, #tpu.memory_space<vmem>>, vector<1x128x1xf32>
    %get3A_54 = vector.shape_cast %get3A_53 : vector<1x128x1xf32> to vector<128x1xf32>
    %get3A_55 = arith.constant 0 : index
    %get3A_56 = arith.constant 0 : index
    %get3A_57 = arith.constant 3 : index
    %get3A_58 = vector.load %arg3[%get3A_55, %get3A_56, %get3A_57] : memref<1x128x6xf32, #tpu.memory_space<vmem>>, vector<1x128x1xf32>
    %get3A_59 = vector.shape_cast %get3A_58 : vector<1x128x1xf32> to vector<128x1xf32>
    %get3A_60 = arith.constant 0 : index
    %get3A_61 = arith.constant 0 : index
    %get3A_62 = arith.constant 4 : index
    %get3A_63 = vector.load %arg3[%get3A_60, %get3A_61, %get3A_62] : memref<1x128x6xf32, #tpu.memory_space<vmem>>, vector<1x128x1xf32>
    %get3A_64 = vector.shape_cast %get3A_63 : vector<1x128x1xf32> to vector<128x1xf32>
    %gt3A = vector.broadcast %round3A : vector<1x16384xf32> to vector<128x16384xf32>
    %gt3A_65 = vector.broadcast %get3A_44 : vector<128x1xf32> to vector<128x16384xf32>
    %gt3A_66 = arith.cmpf ogt, %gt3A, %gt3A_65 : vector<128x16384xf32>
    %lt3A = vector.broadcast %round3A : vector<1x16384xf32> to vector<128x16384xf32>
    %lt3A_67 = vector.broadcast %get3A_54 : vector<128x1xf32> to vector<128x16384xf32>
    %lt3A_68 = arith.cmpf olt, %lt3A, %lt3A_67 : vector<128x16384xf32>
    %and3A = arith.andi %gt3A_66, %lt3A_68 : vector<128x16384xi1>
    %gt3A_69 = vector.broadcast %round3A_39 : vector<1x16384xf32> to vector<128x16384xf32>
    %gt3A_70 = vector.broadcast %get3A_49 : vector<128x1xf32> to vector<128x16384xf32>
    %gt3A_71 = arith.cmpf ogt, %gt3A_69, %gt3A_70 : vector<128x16384xf32>
    %and3A_72 = arith.andi %and3A, %gt3A_71 : vector<128x16384xi1>
    %lt3A_73 = vector.broadcast %round3A_39 : vector<1x16384xf32> to vector<128x16384xf32>
    %lt3A_74 = vector.broadcast %get3A_59 : vector<128x1xf32> to vector<128x16384xf32>
    %lt3A_75 = arith.cmpf olt, %lt3A_73, %lt3A_74 : vector<128x16384xf32>
    %and3A_76 = arith.andi %and3A_72, %lt3A_75 : vector<128x16384xi1>
    %convert_element_type3A_77 = arith.extui %and3A_76 : vector<128x16384xi1> to vector<128x16384xi32>
    %convert_element_type3A_78 = arith.sitofp %convert_element_type3A_77 : vector<128x16384xi32> to vector<128x16384xf32>
    %add3A_79 = vector.broadcast %get3A_64 : vector<128x1xf32> to vector<128x16384xf32>
    %add3A_80 = arith.addf %convert_element_type3A_78, %add3A_79 : vector<128x16384xf32>
    %iota3A = tpu.iota {dimensions = array<i32: 0>} : vector<128x16384xi32>
    %iota3A_81 = tpu.iota {dimensions = array<i32: 0>} : vector<10x16384xi32>
    %get3A_82 = arith.constant 0 : index
    %get3A_83 = arith.constant 0 : index
    %get3A_84 = arith.constant 0 : index
    %get3A_85 = vector.load %arg3[%get3A_82, %get3A_83, %get3A_84] : memref<1x128x6xf32, #tpu.memory_space<vmem>>, vector<1x128x6xf32>
    %get3A_86 = vector.shape_cast %get3A_85 : vector<1x128x6xf32> to vector<128x6xf32>
    %reduce_max3A = arith.constant dense<0xFF800000> : vector<16384xf32>
    %reduce_max3A_87 = vector.multi_reduction <maximumf>, %add3A_80, %reduce_max3A [0] : vector<128x16384xf32> to vector<16384xf32>
    %broadcast_in_dim3A = vector.shape_cast %reduce_max3A_87 : vector<16384xf32> to vector<1x16384xf32>
    %eq3A = vector.broadcast %broadcast_in_dim3A : vector<1x16384xf32> to vector<128x16384xf32>
    %eq3A_88 = arith.cmpf oeq, %add3A_80, %eq3A : vector<128x16384xf32>
    %jit3A = arith.constant 128 : i32
    %broadcast_in_dim3A_89 = vector.broadcast %jit3A : i32 to vector<128x16384xi32>
    %select_n3A = arith.select %eq3A_88, %iota3A, %broadcast_in_dim3A_89 : vector<128x16384xi1>, vector<128x16384xi32>
    %reduce_min3A = arith.constant dense<2147483647> : vector<16384xi32>
    %reduce_min3A_90 = vector.multi_reduction <minsi>, %select_n3A, %reduce_min3A [0] : vector<128x16384xi32> to vector<16384xi32>
    %broadcast_in_dim3A_91 = vector.shape_cast %reduce_min3A_90 : vector<16384xi32> to vector<1x16384xi32>
    %eq3A_92 = vector.broadcast %broadcast_in_dim3A_91 : vector<1x16384xi32> to vector<128x16384xi32>
    %eq3A_93 = arith.cmpi eq, %iota3A, %eq3A_92 : vector<128x16384xi32>
    %convert_element_type3A_94 = arith.extui %eq3A_93 : vector<128x16384xi1> to vector<128x16384xi32>
    %convert_element_type3A_95 = arith.sitofp %convert_element_type3A_94 : vector<128x16384xi32> to vector<128x16384xf32>
    %dot_general3A = arith.constant dense<0.000000e+00> : vector<6x16384xf32>
    %dot_general3A_96 = tpu.matmul %get3A_86, %convert_element_type3A_95, %dot_general3A {dimension_numbers = #tpu.dot_dimension_numbers<[0], [0], [1], [1], [0, 1, 1, 1], [], []>, precision = #tpu.contract_precision<fp32>, transpose_lhs_hint = false} : vector<128x6xf32>, vector<128x16384xf32>, vector<6x16384xf32> -> vector<6x16384xf32>
    %slice3A = vector.extract_strided_slice %dot_general3A_96 {offsets = [0, 0], sizes = [1, 16384], strides = [1, 1]} : vector<6x16384xf32> to vector<1x16384xf32>
    %slice3A_97 = vector.extract_strided_slice %dot_general3A_96 {offsets = [1, 0], sizes = [1, 16384], strides = [1, 1]} : vector<6x16384xf32> to vector<1x16384xf32>
    %slice3A_98 = vector.extract_strided_slice %dot_general3A_96 {offsets = [2, 0], sizes = [1, 16384], strides = [1, 1]} : vector<6x16384xf32> to vector<1x16384xf32>
    %slice3A_99 = vector.extract_strided_slice %dot_general3A_96 {offsets = [3, 0], sizes = [1, 16384], strides = [1, 1]} : vector<6x16384xf32> to vector<1x16384xf32>
    %slice3A_100 = vector.extract_strided_slice %dot_general3A_96 {offsets = [4, 0], sizes = [1, 16384], strides = [1, 1]} : vector<6x16384xf32> to vector<1x16384xf32>
    %slice3A_101 = vector.extract_strided_slice %dot_general3A_96 {offsets = [5, 0], sizes = [1, 16384], strides = [1, 1]} : vector<6x16384xf32> to vector<1x16384xf32>
    %gt3A_102 = arith.cmpf ogt, %round3A, %slice3A : vector<1x16384xf32>
    %lt3A_103 = arith.cmpf olt, %round3A, %slice3A_98 : vector<1x16384xf32>
    %and3A_104 = arith.andi %gt3A_102, %lt3A_103 : vector<1x16384xi1>
    %gt3A_105 = arith.cmpf ogt, %round3A_39, %slice3A_97 : vector<1x16384xf32>
    %and3A_106 = arith.andi %and3A_104, %gt3A_105 : vector<1x16384xi1>
    %lt3A_107 = arith.cmpf olt, %round3A_39, %slice3A_99 : vector<1x16384xf32>
    %and3A_108 = arith.andi %and3A_106, %lt3A_107 : vector<1x16384xi1>
    %convert_element_type3A_109 = arith.extui %and3A_108 : vector<1x16384xi1> to vector<1x16384xi32>
    %convert_element_type3A_110 = arith.sitofp %convert_element_type3A_109 : vector<1x16384xi32> to vector<1x16384xf32>
    %add3A_111 = arith.addf %slice3A, %slice3A_98 : vector<1x16384xf32>
    %mul3A_112 = arith.constant 5.000000e-01 : f32
    %mul3A_113 = vector.broadcast %mul3A_112 : f32 to vector<1x16384xf32>
    %mul3A_114 = arith.mulf %add3A_111, %mul3A_113 : vector<1x16384xf32>
    %sub3A_115 = arith.subf %mul3A_114, %round3A : vector<1x16384xf32>
    %add3A_116 = arith.addf %slice3A_97, %slice3A_99 : vector<1x16384xf32>
    %mul3A_117 = arith.constant 5.000000e-01 : f32
    %mul3A_118 = vector.broadcast %mul3A_117 : f32 to vector<1x16384xf32>
    %mul3A_119 = arith.mulf %add3A_116, %mul3A_118 : vector<1x16384xf32>
    %sub3A_120 = arith.subf %mul3A_119, %round3A_39 : vector<1x16384xf32>
    %mul3A_121 = arith.mulf %sub3A_115, %convert_element_type3A_17 : vector<1x16384xf32>
    %convert_element_type3A_122 = arith.truncf %mul3A_121 : vector<1x16384xf32> to vector<1x16384xbf16>
    %convert_element_type3A_123 = arith.extf %convert_element_type3A_122 : vector<1x16384xbf16> to vector<1x16384xf32>
    %mul3A_124 = arith.mulf %sub3A_120, %convert_element_type3A_17 : vector<1x16384xf32>
    %convert_element_type3A_125 = arith.truncf %mul3A_124 : vector<1x16384xf32> to vector<1x16384xbf16>
    %convert_element_type3A_126 = arith.extf %convert_element_type3A_125 : vector<1x16384xbf16> to vector<1x16384xf32>
    %mul3A_127 = arith.constant 0.00188446045 : f32
    %mul3A_128 = vector.broadcast %mul3A_127 : f32 to vector<1x16384xf32>
    %mul3A_129 = arith.mulf %convert_element_type3A_123, %mul3A_128 : vector<1x16384xf32>
    %mul3A_130 = arith.constant 0.00188446045 : f32
    %mul3A_131 = vector.broadcast %mul3A_130 : f32 to vector<1x16384xf32>
    %mul3A_132 = arith.mulf %convert_element_type3A_126, %mul3A_131 : vector<1x16384xf32>
    %neg3A = arith.constant 0.000000e+00 : f32
    %neg3A_133 = vector.broadcast %neg3A : f32 to vector<1x16384xf32>
    %neg3A_134 = arith.subf %neg3A_133, %mul3A_132 : vector<1x16384xf32>
    %add3A_135 = arith.addf %get3A_4, %mul3A_129 : vector<1x16384xf32>
    %add3A_136 = arith.addf %get3A_14, %neg3A_134 : vector<1x16384xf32>
    %mul3A_137 = arith.mulf %add3A_135, %add3A_135 : vector<1x16384xf32>
    %mul3A_138 = arith.mulf %get3A_9, %get3A_9 : vector<1x16384xf32>
    %add3A_139 = arith.addf %mul3A_137, %mul3A_138 : vector<1x16384xf32>
    %mul3A_140 = arith.mulf %add3A_136, %add3A_136 : vector<1x16384xf32>
    %add3A_141 = arith.addf %add3A_139, %mul3A_140 : vector<1x16384xf32>
    %add3A_142 = arith.constant 9.99999997E-7 : f32
    %add3A_143 = vector.broadcast %add3A_142 : f32 to vector<1x16384xf32>
    %add3A_144 = arith.addf %add3A_141, %add3A_143 : vector<1x16384xf32>
    %sqrt3A = math.sqrt %add3A_144 : vector<1x16384xf32>
    %div3A_145 = arith.divf %add3A_135, %sqrt3A : vector<1x16384xf32>
    %div3A_146 = arith.divf %get3A_9, %sqrt3A : vector<1x16384xf32>
    %div3A_147 = arith.divf %add3A_136, %sqrt3A : vector<1x16384xf32>
    %add3A_148 = arith.constant 9.99999997E-7 : f32
    %add3A_149 = vector.broadcast %add3A_148 : f32 to vector<1x16384xf32>
    %add3A_150 = arith.addf %div3A_146, %add3A_149 : vector<1x16384xf32>
    %div3A_151 = arith.divf %div3A_145, %add3A_150 : vector<1x16384xf32>
    %mul3A_152 = arith.mulf %div3A_151, %get3A_9 : vector<1x16384xf32>
    %sub3A_153 = arith.subf %mul3A_152, %get3A_4 : vector<1x16384xf32>
    %add3A_154 = arith.constant 9.99999997E-7 : f32
    %add3A_155 = vector.broadcast %add3A_154 : f32 to vector<1x16384xf32>
    %add3A_156 = arith.addf %div3A_146, %add3A_155 : vector<1x16384xf32>
    %div3A_157 = arith.divf %div3A_147, %add3A_156 : vector<1x16384xf32>
    %mul3A_158 = arith.mulf %div3A_157, %get3A_9 : vector<1x16384xf32>
    %sub3A_159 = arith.subf %mul3A_158, %get3A_14 : vector<1x16384xf32>
    %convert_element_type3A_160 = arith.fptosi %slice3A_101 : vector<1x16384xf32> to vector<1x16384xi32>
    %eq3A_161 = vector.broadcast %convert_element_type3A_160 : vector<1x16384xi32> to vector<10x16384xi32>
    %eq3A_162 = arith.cmpi eq, %iota3A_81, %eq3A_161 : vector<10x16384xi32>
    %convert_element_type3A_163 = arith.extui %eq3A_162 : vector<10x16384xi1> to vector<10x16384xi32>
    %convert_element_type3A_164 = arith.sitofp %convert_element_type3A_163 : vector<10x16384xi32> to vector<10x16384xf32>
    %mul3A_165 = vector.broadcast %slice3A_100 : vector<1x16384xf32> to vector<10x16384xf32>
    %mul3A_166 = arith.mulf %convert_element_type3A_164, %mul3A_165 : vector<10x16384xf32>
    %concatenate3A = tpu.concatenate %sub3A_153, %sub3A_159, %div3A_145, %div3A_146, %div3A_147 in 0 : vector<1x16384xf32>, vector<1x16384xf32>, vector<1x16384xf32>, vector<1x16384xf32>, vector<1x16384xf32> -> vector<5x16384xf32>
    %concatenate3A_167 = tpu.concatenate %concatenate3A, %mul3A_166 in 0 : vector<5x16384xf32>, vector<10x16384xf32> -> vector<15x16384xf32>
    %mul3A_168 = vector.broadcast %convert_element_type3A_110 : vector<1x16384xf32> to vector<15x16384xf32>
    %mul3A_169 = arith.mulf %concatenate3A_167, %mul3A_168 : vector<15x16384xf32>
    %get3A_170 = arith.constant 0 : index
    %get3A_171 = arith.constant 0 : index
    %get3A_172 = arith.constant 0 : index
    %get3A_173 = vector.load %arg4[%get3A_170, %get3A_171, %get3A_172] : memref<1x8x16384xf32, #tpu.memory_space<vmem>>, vector<1x3x16384xf32>
    %get3A_174 = vector.shape_cast %get3A_173 : vector<1x3x16384xf32> to vector<3x16384xf32>
    %add3A_175 = arith.constant 0 : i32
    %add3A_176 = arith.addi %multiple_of3A, %add3A_175 : i32
    %swap3A = arith.constant 0 : index
    %swap3A_177 = arith.constant 0 : index
    %swap3A_178 = arith.index_cast %add3A_176 : i32 to index
    %swap3A_179 = vector.load %arg5[%swap3A, %swap3A_177, %swap3A_178] : memref<1x18x49152xf32, #tpu.memory_space<vmem>>, vector<1x15x16384xf32>
    %swap3A_180 = vector.shape_cast %swap3A_179 : vector<1x15x16384xf32> to vector<15x16384xf32>
    %swap3A_181 = vector.shape_cast %mul3A_169 : vector<15x16384xf32> to vector<1x15x16384xf32>
    tpu.vector_store %arg5[%swap3A, %swap3A_177, %swap3A_178], %swap3A_181 {strides = array<i32>} : memref<1x18x49152xf32, #tpu.memory_space<vmem>>, vector<1x15x16384xf32>,
    %add3A_182 = arith.constant 0 : i32
    %add3A_183 = arith.addi %multiple_of3A, %add3A_182 : i32
    %swap3A_184 = arith.constant 0 : index
    %swap3A_185 = arith.constant 15 : index
    %swap3A_186 = arith.index_cast %add3A_183 : i32 to index
    %swap3A_187 = vector.load %arg5[%swap3A_184, %swap3A_185, %swap3A_186] : memref<1x18x49152xf32, #tpu.memory_space<vmem>>, vector<1x3x16384xf32>
    %swap3A_188 = vector.shape_cast %swap3A_187 : vector<1x3x16384xf32> to vector<3x16384xf32>
    %swap3A_189 = vector.shape_cast %get3A_174 : vector<3x16384xf32> to vector<1x3x16384xf32>
    tpu.vector_store %arg5[%swap3A_184, %swap3A_185, %swap3A_186], %swap3A_189 {strides = array<i32>} : memref<1x18x49152xf32, #tpu.memory_space<vmem>>, vector<1x3x16384xf32>,
    %add3A_190 = arith.constant 0 : i32
    %add3A_191 = arith.addi %multiple_of3A, %add3A_190 : i32
    %swap3A_192 = arith.index_cast %arg0 : i32 to index
    %swap3A_193 = arith.index_cast %add3A_191 : i32 to index
    %swap3A_194 = vector.load %arg6[%swap3A_192, %swap3A_193] : memref<2x49152xi32, #tpu.memory_space<vmem>>, vector<1x16384xi32>
    %swap3A_195 = arith.extui %and3A_108 : vector<1x16384xi1> to vector<1x16384xi32>
    %swap3A_196 = arith.constant dense<0> : vector<1x16384xi32>
    %swap3A_197 = arith.cmpi ne, %swap3A_194, %swap3A_196 : vector<1x16384xi32>
    tpu.vector_store %arg6[%swap3A_192, %swap3A_193], %swap3A_195 {strides = array<i32>} : memref<2x49152xi32, #tpu.memory_space<vmem>>, vector<1x16384xi32>,
    %eq3A_198 = vector.broadcast %broadcast_in_dim3A_91 : vector<1x16384xi32> to vector<128x16384xi32>
    %eq3A_199 = arith.cmpi eq, %iota3A, %eq3A_198 : vector<128x16384xi32>
    %jit3A_200 = arith.constant -1.000000e+00 : f32
    %broadcast_in_dim3A_201 = vector.broadcast %jit3A_200 : f32 to vector<128x16384xf32>
    %select_n3A_202 = arith.select %eq3A_199, %broadcast_in_dim3A_201, %add3A_80 : vector<128x16384xi1>, vector<128x16384xf32>
    %reduce_max3A_203 = arith.constant dense<0xFF800000> : vector<16384xf32>
    %reduce_max3A_204 = vector.multi_reduction <maximumf>, %select_n3A_202, %reduce_max3A_203 [0] : vector<128x16384xf32> to vector<16384xf32>
    %broadcast_in_dim3A_205 = vector.shape_cast %reduce_max3A_204 : vector<16384xf32> to vector<1x16384xf32>
    %eq3A_206 = vector.broadcast %broadcast_in_dim3A_205 : vector<1x16384xf32> to vector<128x16384xf32>
    %eq3A_207 = arith.cmpf oeq, %select_n3A_202, %eq3A_206 : vector<128x16384xf32>
    %jit3A_208 = arith.constant 128 : i32
    %broadcast_in_dim3A_209 = vector.broadcast %jit3A_208 : i32 to vector<128x16384xi32>
    %select_n3A_210 = arith.select %eq3A_207, %iota3A, %broadcast_in_dim3A_209 : vector<128x16384xi1>, vector<128x16384xi32>
    %reduce_min3A_211 = arith.constant dense<2147483647> : vector<16384xi32>
    %reduce_min3A_212 = vector.multi_reduction <minsi>, %select_n3A_210, %reduce_min3A_211 [0] : vector<128x16384xi32> to vector<16384xi32>
    %broadcast_in_dim3A_213 = vector.shape_cast %reduce_min3A_212 : vector<16384xi32> to vector<1x16384xi32>
    %eq3A_214 = vector.broadcast %broadcast_in_dim3A_213 : vector<1x16384xi32> to vector<128x16384xi32>
    %eq3A_215 = arith.cmpi eq, %iota3A, %eq3A_214 : vector<128x16384xi32>
    %convert_element_type3A_216 = arith.extui %eq3A_215 : vector<128x16384xi1> to vector<128x16384xi32>
    %convert_element_type3A_217 = arith.sitofp %convert_element_type3A_216 : vector<128x16384xi32> to vector<128x16384xf32>
    %dot_general3A_218 = arith.constant dense<0.000000e+00> : vector<6x16384xf32>
    %dot_general3A_219 = tpu.matmul %get3A_86, %convert_element_type3A_217, %dot_general3A_218 {dimension_numbers = #tpu.dot_dimension_numbers<[0], [0], [1], [1], [0, 1, 1, 1], [], []>, precision = #tpu.contract_precision<fp32>, transpose_lhs_hint = false} : vector<128x6xf32>, vector<128x16384xf32>, vector<6x16384xf32> -> vector<6x16384xf32>
    %slice3A_220 = vector.extract_strided_slice %dot_general3A_219 {offsets = [0, 0], sizes = [1, 16384], strides = [1, 1]} : vector<6x16384xf32> to vector<1x16384xf32>
    %slice3A_221 = vector.extract_strided_slice %dot_general3A_219 {offsets = [1, 0], sizes = [1, 16384], strides = [1, 1]} : vector<6x16384xf32> to vector<1x16384xf32>
    %slice3A_222 = vector.extract_strided_slice %dot_general3A_219 {offsets = [2, 0], sizes = [1, 16384], strides = [1, 1]} : vector<6x16384xf32> to vector<1x16384xf32>
    %slice3A_223 = vector.extract_strided_slice %dot_general3A_219 {offsets = [3, 0], sizes = [1, 16384], strides = [1, 1]} : vector<6x16384xf32> to vector<1x16384xf32>
    %slice3A_224 = vector.extract_strided_slice %dot_general3A_219 {offsets = [4, 0], sizes = [1, 16384], strides = [1, 1]} : vector<6x16384xf32> to vector<1x16384xf32>
    %slice3A_225 = vector.extract_strided_slice %dot_general3A_219 {offsets = [5, 0], sizes = [1, 16384], strides = [1, 1]} : vector<6x16384xf32> to vector<1x16384xf32>
    %gt3A_226 = arith.cmpf ogt, %round3A, %slice3A_220 : vector<1x16384xf32>
    %lt3A_227 = arith.cmpf olt, %round3A, %slice3A_222 : vector<1x16384xf32>
    %and3A_228 = arith.andi %gt3A_226, %lt3A_227 : vector<1x16384xi1>
    %gt3A_229 = arith.cmpf ogt, %round3A_39, %slice3A_221 : vector<1x16384xf32>
    %and3A_230 = arith.andi %and3A_228, %gt3A_229 : vector<1x16384xi1>
    %lt3A_231 = arith.cmpf olt, %round3A_39, %slice3A_223 : vector<1x16384xf32>
    %and3A_232 = arith.andi %and3A_230, %lt3A_231 : vector<1x16384xi1>
    %convert_element_type3A_233 = arith.extui %and3A_232 : vector<1x16384xi1> to vector<1x16384xi32>
    %convert_element_type3A_234 = arith.sitofp %convert_element_type3A_233 : vector<1x16384xi32> to vector<1x16384xf32>
    %add3A_235 = arith.addf %slice3A_220, %slice3A_222 : vector<1x16384xf32>
    %mul3A_236 = arith.constant 5.000000e-01 : f32
    %mul3A_237 = vector.broadcast %mul3A_236 : f32 to vector<1x16384xf32>
    %mul3A_238 = arith.mulf %add3A_235, %mul3A_237 : vector<1x16384xf32>
    %sub3A_239 = arith.subf %mul3A_238, %round3A : vector<1x16384xf32>
    %add3A_240 = arith.addf %slice3A_221, %slice3A_223 : vector<1x16384xf32>
    %mul3A_241 = arith.constant 5.000000e-01 : f32
    %mul3A_242 = vector.broadcast %mul3A_241 : f32 to vector<1x16384xf32>
    %mul3A_243 = arith.mulf %add3A_240, %mul3A_242 : vector<1x16384xf32>
    %sub3A_244 = arith.subf %mul3A_243, %round3A_39 : vector<1x16384xf32>
    %mul3A_245 = arith.mulf %sub3A_239, %convert_element_type3A_17 : vector<1x16384xf32>
    %convert_element_type3A_246 = arith.truncf %mul3A_245 : vector<1x16384xf32> to vector<1x16384xbf16>
    %convert_element_type3A_247 = arith.extf %convert_element_type3A_246 : vector<1x16384xbf16> to vector<1x16384xf32>
    %mul3A_248 = arith.mulf %sub3A_244, %convert_element_type3A_17 : vector<1x16384xf32>
    %convert_element_type3A_249 = arith.truncf %mul3A_248 : vector<1x16384xf32> to vector<1x16384xbf16>
    %convert_element_type3A_250 = arith.extf %convert_element_type3A_249 : vector<1x16384xbf16> to vector<1x16384xf32>
    %mul3A_251 = arith.constant 0.00188446045 : f32
    %mul3A_252 = vector.broadcast %mul3A_251 : f32 to vector<1x16384xf32>
    %mul3A_253 = arith.mulf %convert_element_type3A_247, %mul3A_252 : vector<1x16384xf32>
    %mul3A_254 = arith.constant 0.00188446045 : f32
    %mul3A_255 = vector.broadcast %mul3A_254 : f32 to vector<1x16384xf32>
    %mul3A_256 = arith.mulf %convert_element_type3A_250, %mul3A_255 : vector<1x16384xf32>
    %neg3A_257 = arith.constant 0.000000e+00 : f32
    %neg3A_258 = vector.broadcast %neg3A_257 : f32 to vector<1x16384xf32>
    %neg3A_259 = arith.subf %neg3A_258, %mul3A_256 : vector<1x16384xf32>
    %add3A_260 = arith.addf %get3A_4, %mul3A_253 : vector<1x16384xf32>
    %add3A_261 = arith.addf %get3A_14, %neg3A_259 : vector<1x16384xf32>
    %mul3A_262 = arith.mulf %add3A_260, %add3A_260 : vector<1x16384xf32>
    %mul3A_263 = arith.mulf %get3A_9, %get3A_9 : vector<1x16384xf32>
    %add3A_264 = arith.addf %mul3A_262, %mul3A_263 : vector<1x16384xf32>
    %mul3A_265 = arith.mulf %add3A_261, %add3A_261 : vector<1x16384xf32>
    %add3A_266 = arith.addf %add3A_264, %mul3A_265 : vector<1x16384xf32>
    %add3A_267 = arith.constant 9.99999997E-7 : f32
    %add3A_268 = vector.broadcast %add3A_267 : f32 to vector<1x16384xf32>
    %add3A_269 = arith.addf %add3A_266, %add3A_268 : vector<1x16384xf32>
    %sqrt3A_270 = math.sqrt %add3A_269 : vector<1x16384xf32>
    %div3A_271 = arith.divf %add3A_260, %sqrt3A_270 : vector<1x16384xf32>
    %div3A_272 = arith.divf %get3A_9, %sqrt3A_270 : vector<1x16384xf32>
    %div3A_273 = arith.divf %add3A_261, %sqrt3A_270 : vector<1x16384xf32>
    %add3A_274 = arith.constant 9.99999997E-7 : f32
    %add3A_275 = vector.broadcast %add3A_274 : f32 to vector<1x16384xf32>
    %add3A_276 = arith.addf %div3A_272, %add3A_275 : vector<1x16384xf32>
    %div3A_277 = arith.divf %div3A_271, %add3A_276 : vector<1x16384xf32>
    %mul3A_278 = arith.mulf %div3A_277, %get3A_9 : vector<1x16384xf32>
    %sub3A_279 = arith.subf %mul3A_278, %get3A_4 : vector<1x16384xf32>
    %add3A_280 = arith.constant 9.99999997E-7 : f32
    %add3A_281 = vector.broadcast %add3A_280 : f32 to vector<1x16384xf32>
    %add3A_282 = arith.addf %div3A_272, %add3A_281 : vector<1x16384xf32>
    %div3A_283 = arith.divf %div3A_273, %add3A_282 : vector<1x16384xf32>
    %mul3A_284 = arith.mulf %div3A_283, %get3A_9 : vector<1x16384xf32>
    %sub3A_285 = arith.subf %mul3A_284, %get3A_14 : vector<1x16384xf32>
    %convert_element_type3A_286 = arith.fptosi %slice3A_225 : vector<1x16384xf32> to vector<1x16384xi32>
    %eq3A_287 = vector.broadcast %convert_element_type3A_286 : vector<1x16384xi32> to vector<10x16384xi32>
    %eq3A_288 = arith.cmpi eq, %iota3A_81, %eq3A_287 : vector<10x16384xi32>
    %convert_element_type3A_289 = arith.extui %eq3A_288 : vector<10x16384xi1> to vector<10x16384xi32>
    %convert_element_type3A_290 = arith.sitofp %convert_element_type3A_289 : vector<10x16384xi32> to vector<10x16384xf32>
    %mul3A_291 = vector.broadcast %slice3A_224 : vector<1x16384xf32> to vector<10x16384xf32>
    %mul3A_292 = arith.mulf %convert_element_type3A_290, %mul3A_291 : vector<10x16384xf32>
    %concatenate3A_293 = tpu.concatenate %sub3A_279, %sub3A_285, %div3A_271, %div3A_272, %div3A_273 in 0 : vector<1x16384xf32>, vector<1x16384xf32>, vector<1x16384xf32>, vector<1x16384xf32>, vector<1x16384xf32> -> vector<5x16384xf32>
    %concatenate3A_294 = tpu.concatenate %concatenate3A_293, %mul3A_292 in 0 : vector<5x16384xf32>, vector<10x16384xf32> -> vector<15x16384xf32>
    %mul3A_295 = vector.broadcast %convert_element_type3A_234 : vector<1x16384xf32> to vector<15x16384xf32>
    %mul3A_296 = arith.mulf %concatenate3A_294, %mul3A_295 : vector<15x16384xf32>
    %get3A_297 = arith.constant 0 : index
    %get3A_298 = arith.constant 0 : index
    %get3A_299 = arith.constant 0 : index
    %get3A_300 = vector.load %arg4[%get3A_297, %get3A_298, %get3A_299] : memref<1x8x16384xf32, #tpu.memory_space<vmem>>, vector<1x3x16384xf32>
    %get3A_301 = vector.shape_cast %get3A_300 : vector<1x3x16384xf32> to vector<3x16384xf32>
    %add3A_302 = arith.constant 16384 : i32
    %add3A_303 = arith.addi %multiple_of3A, %add3A_302 : i32
    %swap3A_304 = arith.constant 0 : index
    %swap3A_305 = arith.constant 0 : index
    %swap3A_306 = arith.index_cast %add3A_303 : i32 to index
    %swap3A_307 = vector.load %arg5[%swap3A_304, %swap3A_305, %swap3A_306] : memref<1x18x49152xf32, #tpu.memory_space<vmem>>, vector<1x15x16384xf32>
    %swap3A_308 = vector.shape_cast %swap3A_307 : vector<1x15x16384xf32> to vector<15x16384xf32>
    %swap3A_309 = vector.shape_cast %mul3A_296 : vector<15x16384xf32> to vector<1x15x16384xf32>
    tpu.vector_store %arg5[%swap3A_304, %swap3A_305, %swap3A_306], %swap3A_309 {strides = array<i32>} : memref<1x18x49152xf32, #tpu.memory_space<vmem>>, vector<1x15x16384xf32>,
    %add3A_310 = arith.constant 16384 : i32
    %add3A_311 = arith.addi %multiple_of3A, %add3A_310 : i32
    %swap3A_312 = arith.constant 0 : index
    %swap3A_313 = arith.constant 15 : index
    %swap3A_314 = arith.index_cast %add3A_311 : i32 to index
    %swap3A_315 = vector.load %arg5[%swap3A_312, %swap3A_313, %swap3A_314] : memref<1x18x49152xf32, #tpu.memory_space<vmem>>, vector<1x3x16384xf32>
    %swap3A_316 = vector.shape_cast %swap3A_315 : vector<1x3x16384xf32> to vector<3x16384xf32>
    %swap3A_317 = vector.shape_cast %get3A_301 : vector<3x16384xf32> to vector<1x3x16384xf32>
    tpu.vector_store %arg5[%swap3A_312, %swap3A_313, %swap3A_314], %swap3A_317 {strides = array<i32>} : memref<1x18x49152xf32, #tpu.memory_space<vmem>>, vector<1x3x16384xf32>,
    %add3A_318 = arith.constant 16384 : i32
    %add3A_319 = arith.addi %multiple_of3A, %add3A_318 : i32
    %swap3A_320 = arith.index_cast %arg0 : i32 to index
    %swap3A_321 = arith.index_cast %add3A_319 : i32 to index
    %swap3A_322 = vector.load %arg6[%swap3A_320, %swap3A_321] : memref<2x49152xi32, #tpu.memory_space<vmem>>, vector<1x16384xi32>
    %swap3A_323 = arith.extui %and3A_232 : vector<1x16384xi1> to vector<1x16384xi32>
    %swap3A_324 = arith.constant dense<0> : vector<1x16384xi32>
    %swap3A_325 = arith.cmpi ne, %swap3A_322, %swap3A_324 : vector<1x16384xi32>
    tpu.vector_store %arg6[%swap3A_320, %swap3A_321], %swap3A_323 {strides = array<i32>} : memref<2x49152xi32, #tpu.memory_space<vmem>>, vector<1x16384xi32>,
    %eq3A_326 = vector.broadcast %broadcast_in_dim3A_213 : vector<1x16384xi32> to vector<128x16384xi32>
    %eq3A_327 = arith.cmpi eq, %iota3A, %eq3A_326 : vector<128x16384xi32>
    %jit3A_328 = arith.constant -1.000000e+00 : f32
    %broadcast_in_dim3A_329 = vector.broadcast %jit3A_328 : f32 to vector<128x16384xf32>
    %select_n3A_330 = arith.select %eq3A_327, %broadcast_in_dim3A_329, %select_n3A_202 : vector<128x16384xi1>, vector<128x16384xf32>
    %reduce_max3A_331 = arith.constant dense<0xFF800000> : vector<16384xf32>
    %reduce_max3A_332 = vector.multi_reduction <maximumf>, %select_n3A_330, %reduce_max3A_331 [0] : vector<128x16384xf32> to vector<16384xf32>
    %broadcast_in_dim3A_333 = vector.shape_cast %reduce_max3A_332 : vector<16384xf32> to vector<1x16384xf32>
    %eq3A_334 = vector.broadcast %broadcast_in_dim3A_333 : vector<1x16384xf32> to vector<128x16384xf32>
    %eq3A_335 = arith.cmpf oeq, %select_n3A_330, %eq3A_334 : vector<128x16384xf32>
    %jit3A_336 = arith.constant 128 : i32
    %broadcast_in_dim3A_337 = vector.broadcast %jit3A_336 : i32 to vector<128x16384xi32>
    %select_n3A_338 = arith.select %eq3A_335, %iota3A, %broadcast_in_dim3A_337 : vector<128x16384xi1>, vector<128x16384xi32>
    %reduce_min3A_339 = arith.constant dense<2147483647> : vector<16384xi32>
    %reduce_min3A_340 = vector.multi_reduction <minsi>, %select_n3A_338, %reduce_min3A_339 [0] : vector<128x16384xi32> to vector<16384xi32>
    %broadcast_in_dim3A_341 = vector.shape_cast %reduce_min3A_340 : vector<16384xi32> to vector<1x16384xi32>
    %eq3A_342 = vector.broadcast %broadcast_in_dim3A_341 : vector<1x16384xi32> to vector<128x16384xi32>
    %eq3A_343 = arith.cmpi eq, %iota3A, %eq3A_342 : vector<128x16384xi32>
    %convert_element_type3A_344 = arith.extui %eq3A_343 : vector<128x16384xi1> to vector<128x16384xi32>
    %convert_element_type3A_345 = arith.sitofp %convert_element_type3A_344 : vector<128x16384xi32> to vector<128x16384xf32>
    %dot_general3A_346 = arith.constant dense<0.000000e+00> : vector<6x16384xf32>
    %dot_general3A_347 = tpu.matmul %get3A_86, %convert_element_type3A_345, %dot_general3A_346 {dimension_numbers = #tpu.dot_dimension_numbers<[0], [0], [1], [1], [0, 1, 1, 1], [], []>, precision = #tpu.contract_precision<fp32>, transpose_lhs_hint = false} : vector<128x6xf32>, vector<128x16384xf32>, vector<6x16384xf32> -> vector<6x16384xf32>
    %slice3A_348 = vector.extract_strided_slice %dot_general3A_347 {offsets = [0, 0], sizes = [1, 16384], strides = [1, 1]} : vector<6x16384xf32> to vector<1x16384xf32>
    %slice3A_349 = vector.extract_strided_slice %dot_general3A_347 {offsets = [1, 0], sizes = [1, 16384], strides = [1, 1]} : vector<6x16384xf32> to vector<1x16384xf32>
    %slice3A_350 = vector.extract_strided_slice %dot_general3A_347 {offsets = [2, 0], sizes = [1, 16384], strides = [1, 1]} : vector<6x16384xf32> to vector<1x16384xf32>
    %slice3A_351 = vector.extract_strided_slice %dot_general3A_347 {offsets = [3, 0], sizes = [1, 16384], strides = [1, 1]} : vector<6x16384xf32> to vector<1x16384xf32>
    %slice3A_352 = vector.extract_strided_slice %dot_general3A_347 {offsets = [4, 0], sizes = [1, 16384], strides = [1, 1]} : vector<6x16384xf32> to vector<1x16384xf32>
    %slice3A_353 = vector.extract_strided_slice %dot_general3A_347 {offsets = [5, 0], sizes = [1, 16384], strides = [1, 1]} : vector<6x16384xf32> to vector<1x16384xf32>
    %gt3A_354 = arith.cmpf ogt, %round3A, %slice3A_348 : vector<1x16384xf32>
    %lt3A_355 = arith.cmpf olt, %round3A, %slice3A_350 : vector<1x16384xf32>
    %and3A_356 = arith.andi %gt3A_354, %lt3A_355 : vector<1x16384xi1>
    %gt3A_357 = arith.cmpf ogt, %round3A_39, %slice3A_349 : vector<1x16384xf32>
    %and3A_358 = arith.andi %and3A_356, %gt3A_357 : vector<1x16384xi1>
    %lt3A_359 = arith.cmpf olt, %round3A_39, %slice3A_351 : vector<1x16384xf32>
    %and3A_360 = arith.andi %and3A_358, %lt3A_359 : vector<1x16384xi1>
    %convert_element_type3A_361 = arith.extui %and3A_360 : vector<1x16384xi1> to vector<1x16384xi32>
    %convert_element_type3A_362 = arith.sitofp %convert_element_type3A_361 : vector<1x16384xi32> to vector<1x16384xf32>
    %add3A_363 = arith.addf %slice3A_348, %slice3A_350 : vector<1x16384xf32>
    %mul3A_364 = arith.constant 5.000000e-01 : f32
    %mul3A_365 = vector.broadcast %mul3A_364 : f32 to vector<1x16384xf32>
    %mul3A_366 = arith.mulf %add3A_363, %mul3A_365 : vector<1x16384xf32>
    %sub3A_367 = arith.subf %mul3A_366, %round3A : vector<1x16384xf32>
    %add3A_368 = arith.addf %slice3A_349, %slice3A_351 : vector<1x16384xf32>
    %mul3A_369 = arith.constant 5.000000e-01 : f32
    %mul3A_370 = vector.broadcast %mul3A_369 : f32 to vector<1x16384xf32>
    %mul3A_371 = arith.mulf %add3A_368, %mul3A_370 : vector<1x16384xf32>
    %sub3A_372 = arith.subf %mul3A_371, %round3A_39 : vector<1x16384xf32>
    %mul3A_373 = arith.mulf %sub3A_367, %convert_element_type3A_17 : vector<1x16384xf32>
    %convert_element_type3A_374 = arith.truncf %mul3A_373 : vector<1x16384xf32> to vector<1x16384xbf16>
    %convert_element_type3A_375 = arith.extf %convert_element_type3A_374 : vector<1x16384xbf16> to vector<1x16384xf32>
    %mul3A_376 = arith.mulf %sub3A_372, %convert_element_type3A_17 : vector<1x16384xf32>
    %convert_element_type3A_377 = arith.truncf %mul3A_376 : vector<1x16384xf32> to vector<1x16384xbf16>
    %convert_element_type3A_378 = arith.extf %convert_element_type3A_377 : vector<1x16384xbf16> to vector<1x16384xf32>
    %mul3A_379 = arith.constant 0.00188446045 : f32
    %mul3A_380 = vector.broadcast %mul3A_379 : f32 to vector<1x16384xf32>
    %mul3A_381 = arith.mulf %convert_element_type3A_375, %mul3A_380 : vector<1x16384xf32>
    %mul3A_382 = arith.constant 0.00188446045 : f32
    %mul3A_383 = vector.broadcast %mul3A_382 : f32 to vector<1x16384xf32>
    %mul3A_384 = arith.mulf %convert_element_type3A_378, %mul3A_383 : vector<1x16384xf32>
    %neg3A_385 = arith.constant 0.000000e+00 : f32
    %neg3A_386 = vector.broadcast %neg3A_385 : f32 to vector<1x16384xf32>
    %neg3A_387 = arith.subf %neg3A_386, %mul3A_384 : vector<1x16384xf32>
    %add3A_388 = arith.addf %get3A_4, %mul3A_381 : vector<1x16384xf32>
    %add3A_389 = arith.addf %get3A_14, %neg3A_387 : vector<1x16384xf32>
    %mul3A_390 = arith.mulf %add3A_388, %add3A_388 : vector<1x16384xf32>
    %mul3A_391 = arith.mulf %get3A_9, %get3A_9 : vector<1x16384xf32>
    %add3A_392 = arith.addf %mul3A_390, %mul3A_391 : vector<1x16384xf32>
    %mul3A_393 = arith.mulf %add3A_389, %add3A_389 : vector<1x16384xf32>
    %add3A_394 = arith.addf %add3A_392, %mul3A_393 : vector<1x16384xf32>
    %add3A_395 = arith.constant 9.99999997E-7 : f32
    %add3A_396 = vector.broadcast %add3A_395 : f32 to vector<1x16384xf32>
    %add3A_397 = arith.addf %add3A_394, %add3A_396 : vector<1x16384xf32>
    %sqrt3A_398 = math.sqrt %add3A_397 : vector<1x16384xf32>
    %div3A_399 = arith.divf %add3A_388, %sqrt3A_398 : vector<1x16384xf32>
    %div3A_400 = arith.divf %get3A_9, %sqrt3A_398 : vector<1x16384xf32>
    %div3A_401 = arith.divf %add3A_389, %sqrt3A_398 : vector<1x16384xf32>
    %add3A_402 = arith.constant 9.99999997E-7 : f32
    %add3A_403 = vector.broadcast %add3A_402 : f32 to vector<1x16384xf32>
    %add3A_404 = arith.addf %div3A_400, %add3A_403 : vector<1x16384xf32>
    %div3A_405 = arith.divf %div3A_399, %add3A_404 : vector<1x16384xf32>
    %mul3A_406 = arith.mulf %div3A_405, %get3A_9 : vector<1x16384xf32>
    %sub3A_407 = arith.subf %mul3A_406, %get3A_4 : vector<1x16384xf32>
    %add3A_408 = arith.constant 9.99999997E-7 : f32
    %add3A_409 = vector.broadcast %add3A_408 : f32 to vector<1x16384xf32>
    %add3A_410 = arith.addf %div3A_400, %add3A_409 : vector<1x16384xf32>
    %div3A_411 = arith.divf %div3A_401, %add3A_410 : vector<1x16384xf32>
    %mul3A_412 = arith.mulf %div3A_411, %get3A_9 : vector<1x16384xf32>
    %sub3A_413 = arith.subf %mul3A_412, %get3A_14 : vector<1x16384xf32>
    %convert_element_type3A_414 = arith.fptosi %slice3A_353 : vector<1x16384xf32> to vector<1x16384xi32>
    %eq3A_415 = vector.broadcast %convert_element_type3A_414 : vector<1x16384xi32> to vector<10x16384xi32>
    %eq3A_416 = arith.cmpi eq, %iota3A_81, %eq3A_415 : vector<10x16384xi32>
    %convert_element_type3A_417 = arith.extui %eq3A_416 : vector<10x16384xi1> to vector<10x16384xi32>
    %convert_element_type3A_418 = arith.sitofp %convert_element_type3A_417 : vector<10x16384xi32> to vector<10x16384xf32>
    %mul3A_419 = vector.broadcast %slice3A_352 : vector<1x16384xf32> to vector<10x16384xf32>
    %mul3A_420 = arith.mulf %convert_element_type3A_418, %mul3A_419 : vector<10x16384xf32>
    %concatenate3A_421 = tpu.concatenate %sub3A_407, %sub3A_413, %div3A_399, %div3A_400, %div3A_401 in 0 : vector<1x16384xf32>, vector<1x16384xf32>, vector<1x16384xf32>, vector<1x16384xf32>, vector<1x16384xf32> -> vector<5x16384xf32>
    %concatenate3A_422 = tpu.concatenate %concatenate3A_421, %mul3A_420 in 0 : vector<5x16384xf32>, vector<10x16384xf32> -> vector<15x16384xf32>
    %mul3A_423 = vector.broadcast %convert_element_type3A_362 : vector<1x16384xf32> to vector<15x16384xf32>
    %mul3A_424 = arith.mulf %concatenate3A_422, %mul3A_423 : vector<15x16384xf32>
    %get3A_425 = arith.constant 0 : index
    %get3A_426 = arith.constant 0 : index
    %get3A_427 = arith.constant 0 : index
    %get3A_428 = vector.load %arg4[%get3A_425, %get3A_426, %get3A_427] : memref<1x8x16384xf32, #tpu.memory_space<vmem>>, vector<1x3x16384xf32>
    %get3A_429 = vector.shape_cast %get3A_428 : vector<1x3x16384xf32> to vector<3x16384xf32>
    %add3A_430 = arith.constant 32768 : i32
    %add3A_431 = arith.addi %multiple_of3A, %add3A_430 : i32
    %swap3A_432 = arith.constant 0 : index
    %swap3A_433 = arith.constant 0 : index
    %swap3A_434 = arith.index_cast %add3A_431 : i32 to index
    %swap3A_435 = vector.load %arg5[%swap3A_432, %swap3A_433, %swap3A_434] : memref<1x18x49152xf32, #tpu.memory_space<vmem>>, vector<1x15x16384xf32>
    %swap3A_436 = vector.shape_cast %swap3A_435 : vector<1x15x16384xf32> to vector<15x16384xf32>
    %swap3A_437 = vector.shape_cast %mul3A_424 : vector<15x16384xf32> to vector<1x15x16384xf32>
    tpu.vector_store %arg5[%swap3A_432, %swap3A_433, %swap3A_434], %swap3A_437 {strides = array<i32>} : memref<1x18x49152xf32, #tpu.memory_space<vmem>>, vector<1x15x16384xf32>,
    %add3A_438 = arith.constant 32768 : i32
    %add3A_439 = arith.addi %multiple_of3A, %add3A_438 : i32
    %swap3A_440 = arith.constant 0 : index
    %swap3A_441 = arith.constant 15 : index
    %swap3A_442 = arith.index_cast %add3A_439 : i32 to index
    %swap3A_443 = vector.load %arg5[%swap3A_440, %swap3A_441, %swap3A_442] : memref<1x18x49152xf32, #tpu.memory_space<vmem>>, vector<1x3x16384xf32>
    %swap3A_444 = vector.shape_cast %swap3A_443 : vector<1x3x16384xf32> to vector<3x16384xf32>
    %swap3A_445 = vector.shape_cast %get3A_429 : vector<3x16384xf32> to vector<1x3x16384xf32>
    tpu.vector_store %arg5[%swap3A_440, %swap3A_441, %swap3A_442], %swap3A_445 {strides = array<i32>} : memref<1x18x49152xf32, #tpu.memory_space<vmem>>, vector<1x3x16384xf32>,
    %add3A_446 = arith.constant 32768 : i32
    %add3A_447 = arith.addi %multiple_of3A, %add3A_446 : i32
    %swap3A_448 = arith.index_cast %arg0 : i32 to index
    %swap3A_449 = arith.index_cast %add3A_447 : i32 to index
    %swap3A_450 = vector.load %arg6[%swap3A_448, %swap3A_449] : memref<2x49152xi32, #tpu.memory_space<vmem>>, vector<1x16384xi32>
    %swap3A_451 = arith.extui %and3A_360 : vector<1x16384xi1> to vector<1x16384xi32>
    %swap3A_452 = arith.constant dense<0> : vector<1x16384xi32>
    %swap3A_453 = arith.cmpi ne, %swap3A_450, %swap3A_452 : vector<1x16384xi32>
    tpu.vector_store %arg6[%swap3A_448, %swap3A_449], %swap3A_451 {strides = array<i32>} : memref<2x49152xi32, #tpu.memory_space<vmem>>, vector<1x16384xi32>,
    return
  }
  func.func @transform_0(%arg0: i32, %arg1: i32) -> (i32, i32, i32) {
    %c0_i32 = arith.constant 0 : i32
    %c0_i32_0 = arith.constant 0 : i32
    return %arg0, %c0_i32, %arg1 : i32, i32, i32
  }
  func.func @transform_1(%arg0: i32, %arg1: i32) -> (i32, i32, i32) {
    %c0_i32 = arith.constant 0 : i32
    %c0_i32_0 = arith.constant 0 : i32
    %c0_i32_1 = arith.constant 0 : i32
    return %arg0, %c0_i32, %c0_i32_0 : i32, i32, i32
  }
  func.func @transform_2(%arg0: i32, %arg1: i32) -> (i32, i32, i32) {
    %c0_i32 = arith.constant 0 : i32
    %c0_i32_0 = arith.constant 0 : i32
    return %arg0, %c0_i32, %arg1 : i32, i32, i32
  }
  func.func @transform_3(%arg0: i32, %arg1: i32) -> (i32, i32, i32) {
    %c0_i32 = arith.constant 0 : i32
    %c0_i32_0 = arith.constant 0 : i32
    %c0_i32_1 = arith.constant 0 : i32
    return %arg0, %c0_i32, %c0_i32_0 : i32, i32, i32
  }
  func.func @transform_4(%arg0: i32, %arg1: i32) -> (i32, i32) {
    %c0_i32 = arith.constant 0 : i32
    %c0_i32_0 = arith.constant 0 : i32
    %c0_i32_1 = arith.constant 0 : i32
    return %c0_i32, %c0_i32_0 : i32, i32
  }
}

</mosaic_0001>

<sc_bundles>
// kernel: kernel.5.cloned.1.call-start
scs
__scs_entry_jumppad:
0x0: {  	(pc) =	sbr.rel $0x88, $3  }
0x1: {  	(tag) =	ssettag $0x0;
	lr =	simm.s32 $0x1  }
0x2: {  	[smem:$0x3F9E] =	sst lr;
	_ =	strace $0xD0000000  }
0x3: {  	_ = 	snop  }
0x4: {  	_ = 	snop  }
0x5: {  	_ = 	snop  }
0x6: {  	_ = 	snop  }
0x7: {  	_ = 	snop  }
__scs_overlays_trampoline_lowered:
0x8: {  	[smem:$0x3FAD] =	sst s0  }
0x9: {  	[smem:$0x3FAE] =	sst s1  }
0xa: {  	[smem:$0x3FAF] =	sst s2  }
0xb: {  	[smem:$0x3FB0] =	sst s3  }
0xc: {  	[smem:$0x3FB1] =	sst s4  }
0xd: {  	[smem:$0x3FB2] =	sst s5  }
0xe: {  	[smem:$0x3FB3] =	sst s6  }
0xf: {  	[smem:$0x3FB4] =	sst s7  }
0x10: {  	[smem:$0x3FB5] =	sst s8  }
0x11: {  	[smem:$0x3FB6] =	sst s9;
	s0 =	simm.s32 @!p0 $0x0  }
0x12: {  	s1 =	sld [smem:$0x3F9C];
	s0 =	simm.s32 @p0 $0x1  }
0x13: {  	[smem:$0x3FB7] =	sst s0;
	s0 =	simm.s32 @!p1 $0x0  }
0x14: {  	s2 =	sld [smem:$0x3F9B];
	s0 =	simm.s32 @p1 $0x1  }
0x15: {  	[smem:$0x3FB8] =	sst s0;
	s0 =	simm.s32 @!p2 $0x0  }
0x16: {  	s3 =	sld [smem:$0x3FDB];
	s0 =	simm.s32 @p2 $0x1  }
0x17: {  	s4 =	simm.s32 $0x1BF5;
	[smem:$0x3FBA] =	sst s0  }
0x18: {  	s0 =	sld [smem:$0x3F9D];
	_ =	swait.ge [sflag:s4], $0x0  }
0x19: {  	s7 =	sld [smem:$0x3F9E]  }
0x1a: {  	s8 =	sadd.s32 $0xFFFFE003, lr  }
0x1b: {  	s9 =	sadd.s32 $0xFFFFFEF7, lr;
	s5 =	simm.s32 $0xFFFFFFFF;
	p2 =	slt.u32 s8, $0xFFFFF086  }
0x1c: {  	p1 =	slt.u32 s9, $0xF7A;
	s5 =	simm.s32 @!p2 $0x0  }
0x1d: {  	s5 =	simm.s32 @p1 $0x1;
	p0 =	seq.s32 s7, s2  }
0x1e: {  	s7 =	smul.u32 @!p0 $0xF7A, s2;
	p2 =	seq.s32 @!p0 s5, $0x0  }
0x1f: {  	s9 =	smul.u32 $0xF7A, s1;
	s8 =	simm.s32 @!p0 $0x1BF5;
	p2 =	por !p2, p0  }
0x20: {  	[sflag:s8] =	ssyncset.s32 @!p0 $0xFFFFF086;
	s6 =	sadd.s32 @!p0 s3, s7;
	s7 =	simm.s32 @!p0 $0x108  }
0x21: {  	s3 =	sadd.s32 s3, s9;
	s6 =	sadd.s32 @!p0 $0x88, s6;
	s7 =	simm.s32 @p2 $0x1082  }
0x22: {  	[simem:s7], [sflag:s8] =	dma.local @!p0 [hbm:s6], $0xF7A  }
0x23: {  	s9 =	sor.u32 $0xD0000000, s2;
	s6 =	simm.s32 $0x108;
	_ =	swait.ge @!p0 [sflag:s8], $0x0  }
0x24: {  	s3 =	sadd.s32 $0x88, s3;
	s6 =	simm.s32 @!p1 $0x1082;
	[sflag:s4] =	ssyncset.s32 $0xFFFFF086  }
0x25: {  	[simem:s6], [sflag:s4] =	dma.local [hbm:s3], $0xF7A  }
0x26: {  	[smem:$0x3F9E] =	sst s1;
	(tag) =	ssettag s2;
	_ =	strace s9  }
0x27: {  	s1 =	sld [smem:$0x3FAE]  }
0x28: {  	s2 =	sld [smem:$0x3FAF]  }
0x29: {  	s4 =	sld [smem:$0x3FB1]  }
0x2a: {  	p0 =	seq.s32 s5, $0x0;
	s5 =	sld [smem:$0x3FB2]  }
0x2b: {  	s6 =	sld [smem:$0x3FB3]  }
0x2c: {  	s7 =	sld [smem:$0x3FB4]  }
0x2d: {  	s3 =	simm.s32 $0x108;
	s8 =	sld [smem:$0x3FB5]  }
0x2e: {  	s3 =	simm.s32 @!p0 $0x1082;
	s9 =	sld [smem:$0x3FB6]  }
0x2f: {  	lr =	sadd.s32 s0, s3;
	s0 =	sld [smem:$0x3FAD]  }
0x30: {  	s3 =	sld [smem:$0x3FB0]  }
0x31: {  	[smem:$0x3FB9] =	sst s10  }
0x32: {  	s10 =	sld [smem:$0x3FB7];
	_ =	sdelay $0x3  }
0x33: {  	p0 =	seq.s32 s10, $0x1;
	s10 =	sld [smem:$0x3FB9];
	_ =	sdelay $0x3  }
0x34: {  	[smem:$0x3FB9] =	sst s10  }
0x35: {  	s10 =	sld [smem:$0x3FB8];
	_ =	sdelay $0x3  }
0x36: {  	p1 =	seq.s32 s10, $0x1;
	s10 =	sld [smem:$0x3FB9];
	_ =	sdelay $0x3  }
0x37: {  	[smem:$0x3FB9] =	sst s10  }
0x38: {  	s10 =	sld [smem:$0x3FBA]  }
0x39: {  	_ = 	snop;
	(pc) =	sbr.ind lr, $3  }
0x3a: {  	_ = 	snop  }
0x3b: {  	_ = 	snop  }
0x3c: {  	p2 =	seq.s32 s10, $0x1;
	s10 =	sld [smem:$0x3FB9]  }
0x3d: {  	_ =	shalt  }
0x3e: {  	_ =	shalt  }
0x3f: {  	_ =	shalt  }
0x40: {  	_ =	shalt  }
0x41: {  	_ =	shalt  }
0x42: {  	_ =	shalt  }
0x43: {  	_ =	shalt  }
0x44: {  	_ =	shalt  }
0x45: {  	_ =	shalt  }
0x46: {  	_ =	shalt  }
0x47: {  	_ =	shalt  }
0x48: {  	_ =	shalt  }
0x49: {  	_ =	shalt  }
0x4a: {  	_ =	shalt  }
0x4b: {  	_ =	shalt  }
0x4c: {  	_ =	shalt  }
0x4d: {  	_ =	shalt  }
0x4e: {  	_ =	shalt  }
0x4f: {  	_ =	shalt  }
0x50: {  	_ =	shalt  }
0x51: {  	_ =	shalt  }
0x52: {  	_ =	shalt  }
0x53: {  	_ =	shalt  }
0x54: {  	_ =	shalt  }
0x55: {  	_ =	shalt  }
0x56: {  	_ =	shalt  }
0x57: {  	_ =	shalt  }
0x58: {  	_ =	shalt  }
0x59: {  	_ =	shalt  }
0x5a: {  	_ =	shalt  }
0x5b: {  	_ =	shalt  }
0x5c: {  	_ =	shalt  }
0x5d: {  	_ =	shalt  }
0x5e: {  	_ =	shalt  }
0x5f: {  	_ =	shalt  }
0x60: {  	_ =	shalt  }
0x61: {  	_ =	shalt  }
0x62: {  	_ =	shalt  }
0x63: {  	_ =	shalt  }
0x64: {  	_ =	shalt  }
0x65: {  	_ =	shalt  }
0x66: {  	_ =	shalt  }
0x67: {  	_ =	shalt  }
0x68: {  	_ =	shalt  }
0x69: {  	_ =	shalt  }
0x6a: {  	_ =	shalt  }
0x6b: {  	_ =	shalt  }
0x6c: {  	_ =	shalt  }
0x6d: {  	_ =	shalt  }
0x6e: {  	_ =	shalt  }
0x6f: {  	_ =	shalt  }
0x70: {  	_ =	shalt  }
0x71: {  	_ =	shalt  }
0x72: {  	_ =	shalt  }
0x73: {  	_ =	shalt  }
0x74: {  	_ =	shalt  }
0x75: {  	_ =	shalt  }
0x76: {  	_ =	shalt  }
0x77: {  	_ =	shalt  }
0x78: {  	_ =	shalt  }
0x79: {  	_ =	shalt  }
0x7a: {  	_ =	shalt  }
0x7b: {  	_ =	shalt  }
0x7c: {  	_ =	shalt  }
0x7d: {  	_ =	shalt  }
0x7e: {  	_ =	shalt  }
0x7f: {  	_ =	shalt  }
0x80: {  	_ =	shalt  }
0x81: {  	_ =	shalt  }
0x82: {  	_ =	shalt  }
0x83: {  	_ =	shalt  }
0x84: {  	_ =	shalt  }
0x85: {  	_ =	shalt  }
0x86: {  	_ =	shalt  }
0x87: {  	_ =	shalt  }
.Lfunc_end0:
.L_simem_size_0:
called_computation_lowered:
.L_overlay_start_0:
0x88: {  	s2 =	sld [smem:$0x3FD9]  }
0x89: {  	s3 =	sld [smem:$0x3FFE];
	_ =	sdelay $0x1  }
0x8a: {  	s1 =	srdreg.scid  }
0x8b: {  	s0 =	sand.u32 $0x1, s1  }
0x8c: {  	s14 =	sshll.u32 s0, $0xA;
	s2 =	sadd.s32 s3, s2  }
0x8d: {  	s2 =	sadd.s32 s2, s14  }
0x8e: {  	[smem:$0x3FC5] =	sst s2  }
0x8f: {  	_ = 	snop  }
0x90: {  	s2 =	sld [smem:$0x3FD0];
	_ =	sdelay $0x2  }
0x91: {  	s15 =	simm.s32 $0xA;
	s4 =	simm.s32 $0x10  }
0x92: {  	[smem:s4], [sflag:s15] =	dma.local [hbm:s2], $0x1  }
0x93: {  	_ =	swait.eq [sflag:s15], $0x1  }
0x94: {  	[sflag:s15] =	ssyncset.done $0x0  }
0x95: {  	s16 =	sld [smem:$0x10];
	[sflag:s15] =	ssyncadd.s32 $0xFFFFFFFF  }
0x96: {  	s17 =	sld [smem:$0x11];
	(tm) =	ssettm $0x1  }
0x97: {  	s18 =	sld [smem:$0x3FFB];
	_ =	sdelay $0x3  }
0x98: {  	_ =	strace s18  }
0x99: {  	s4 =	sld [smem:$0x3FFC];
	_ =	sdelay $0x3  }
0x9a: {  	_ =	strace s4  }
0x9b: {  	s4 =	sld [smem:$0x3FFD];
	_ =	sdelay $0x3  }
0x9c: {  	_ =	strace s4  }
0x9d: {  	_ =	strace $0x8FFFFFFF  }
0x9e: {  	s19 =	sld [smem:$0x3FDB];
	_ =	sdelay $0x1  }
0x9f: {  	s5 =	simm.s32 $_scs_section_size  }
0xa0: {  	s6 =	simm.s32 $_size__tile_overlayer_lowered;
	s7 =	simm.s32 $_tile_overlayer_lowered  }
0xa1: {  	s22 =	simm.s32 $0x1BFF;
	s21 =	sshll.u32 s7, $0x1;
	s4 =	sadd.s32 s5, s19  }
0xa2: {  	s8 =	simm.s32 $0x0;
	s20 =	sshll.u32 s6, $0x1;
	s6 =	sadd.s32 s21, s4  }
0xa3: {  	[timem:s8], [sflag:s22] =	dma.local [hbm:s6], s20  }
0xa4: {  	_ =	swait.ge [sflag:s22], s20  }
0xa5: {  	s5 =	ssub.s32 $0x0, s20;
	[sflag:s22] =	ssyncset.done $0x0  }
0xa6: {  	[sflag:s22] =	ssyncadd.s32 s5;
	_ =	sdelay $0x1  }
0xa7: {  	s23 =	simm.s32 $0x1B8B  }
0xa8: {  	_ =	swait.ge [sflag:s23], $0x1  }
0xa9: {  	[sflag:s23] =	ssyncset.done $0x0  }
0xaa: {  	s25 =	simm.s32 $0x1B8E;
	s24 =	sld [smem:$0x3FFE];
	[sflag:s23] =	ssyncadd.s32 $0xFFFFFFFF  }
0xab: {  	s26 =	simm.s32 $execute0_lowered;
	[smem:$0x3FD2] =	sst s25  }
0xac: {  	s6 =	sshll.u32 s26, $0x1;
	_ =	strace $0x80000046;
	[dreg:$0x1] =	wrdreg $0xFFFFFFFF  }
0xad: {  	s28 =	simm.s32 $_size_execute0_lowered;
	s4 =	sadd.s32 s4, s6;
	[dreg:$0x0] =	wrdreg $0x0  }
0xae: {  	s6 =	sshll.u32 s28, $0x1;
	[dreg:$0x2] =	wrdreg s4  }
0xaf: {  	[dreg:$0x3] =	wrdreg s6  }
0xb0: {  	[dreg:$0x4] =	wrdreg $0xC0  }
0xb1: {  	_ =	task [dreg:s8], $0x5FFFF  }
0xb2: {  	[dreg:$0x1] =	wrdreg $0xFFFFFFFF  }
0xb3: {  	[dreg:$0x0] =	wrdreg $0x60  }
0xb4: {  	[dreg:$0x2] =	wrdreg s16  }
0xb5: {  	[dreg:$0x3] =	wrdreg s17  }
0xb6: {  	[dreg:$0x4] =	wrdreg s24  }
0xb7: {  	[dreg:$0x5] =	wrdreg $0x9  }
0xb8: {  	_ =	task.clear_ibuf [dreg:s8], $0x6FFFF;
	_ =	strace $0x90000046  }
0xb9: {  	s29 =	simm.s32 $0x9;
	_ =	strace $0x80000048  }
0xba: {  	_ =	swait.ge [sflag:s29], $0x1  }
0xbb: {  	[sflag:s29] =	ssyncadd.s32 $0xFFFFFFFF  }
0xbc: {  	_ =	strace $0x90000048  }
0xbd: {  	_ =	sfence  }
0xbe: {  	s30 =	sld [smem:$0x0];
	_ =	sdelay $0x2  }
0xbf: {  	s31 =	sshll.u32 s1, $0xD;
	s1 =	sshrl.u32 s1, $0x2  }
0xc0: {  	s3 =	sand.u32 $0x4000, s31;
	s1 =	sadd.s32 s1, s30  }
0xc1: {  	s0 =	sor.u32 s3, s0;
	s1 =	sshll.u32 s1, $0x11  }
0xc2: {  	s0 =	sor.u32 s1, s0  }
0xc3: {  	s0 =	sadd.s32 $0x8F2B, s0  }
0xc4: {  	[sflag:s0] =	ssyncadd.remote.s32 $0x1  }
0xc5: {  	_ =	sfence.sel $0xFFFF  }
0xc6: {  	[dreg:$0x0] =	wrdreg $0xFFFFFFFF;
	(pc) =	sbr.abs _section_cstart, $3  }
0xc7: {  	[dreg:$0x1] =	wrdreg $0xFFFFFFFF  }
0xc8: {  	_ =	task.clear_ibuf [dreg:s8], $0x2FFFF;
	_ =	strace $0x9FFFFFFF  }
0xc9: {  	(tm) =	ssettm $0x7FFFFFFF  }
tec
execute0_lowered:
.L_overlay_start_1:
0x0: {  	(tag) =	ssettag $0x1  }
0x1: {  	s1 =	rddreg [dreg:$0x0]  }
0x2: {  	s4 =	rddreg [dreg:$0x1]  }
0x3: {  	s5 =	rddreg [dreg:$0x2];
	s2 =	simm.s32 $0x0  }
0x4: {  	[smem:$0x7FF] =	sst s2  }
0x5: {  	s0 =	rddreg [dreg:$0x3];
	v0 =	vimm.f32 $2.550000000e+02;
	_ =	strace $0x80000047  }
0x6: {  	s6 =	srdreg.scid;
	(erf) = vrcp.f32 v0  }
0x7: {  	s3 =	stileid.u32;
	s11 =	simm.s32 $0xC00;
	s6 =	sand.u32 $0x1, s6  }
0x8: {  	s7 =	sshll.u32 s3, $0x8;
	s9 =	sshrl.u32 s3, $0x3;
	s8 =	sshll.u32 s6, $0x7  }
0x9: {  	s10 =	sshll.u32 s9, $0xE;
	s6 =	ssub.s32 $0x2, s6;
	s9 =	smul.u32 $0x1A5E0, s9  }
0xa: {  	s14 =	simm.s32 $0x0;
	s7 =	sor.u32 s8, s7;
	s31 =	sshrl.u32 s6, $0x1  }
0xb: {  	s8 =	sand.u32 $0x780, s7;
	s4 =	sadd.s32 s4, s7;
	s12 =	sadd.s32 $0x8CA0, s9  }
0xc: {  	s13 =	sadd.s32 $0x11940, s9;
	v0 =	vmov s9;
	s9 =	simm.s32 $0x2;
	s8 =	sor.u32 s10, s8  }
0xd: {  	s10 =	ssub.s32 s6, s31;
	v2 =	vmov s12;
	s12 =	simm.s32 $0x1;
	s8 =	sadd.s32 s8, s5  }
0xe: {  	v4 =	vlaneseq.u32;
	v3 =	vmov s13;
	s13 =	simm.s32 $0x2C00;
	s5 =	sadd.s32 $0xA00, s8;
	s6 =	sadd.s32 $0x1200, s8  }
0xf: {  	v4 =	vmul.u32 $0x8, v4;
	s7 =	sadd.s32 $0x1A00, s8;
	s8 =	smax.u32 s10, $0x1;
	s10 =	simm.s32 $0x400;
	v1 =	vpop (erf)  }
.LBB2_1:
0x10: {  	[tilespmem:s2], [sflag:$0x2] =	stream.linear.gather [hbm4b:s4+s2], $0x400, $0x38;
	[tilespmem:$0x3000] =	vst v63  }
0x11: {  	_ =	swait.ge [sflag:s9], $0x400  }
0x12: {  	[sflag:s9] =	ssyncset.done $0x0  }
0x13: {  	s15 =	simm.s32 $0x0;
	[sflag:s9] =	ssyncadd.s32 $0xFFFFFC00  }
0x14: {  	v5 =	vld [tilespmem:s15+$0x0]  }
0x15: {  	s16 =	simm.s32 $0x40  }
.LBB2_2:
0x16: {  	p0 =	sne.s32 s16, $0xFC0  }
.Ltmp0:
0x17: {  	_ = 	snop;
	(pc) =	sbr.rel @p0 .LBB2_2-.Ltmp0, $4  }
0x18: {  	_ = 	snop  }
0x19: {  	s17 =	sshra.s32 s16, $0x2;
	s16 =	sadd.s32 $0x40, s16;
	v6 =	vshrl.u32 v5, $0x3;
	v7 =	vand.u32 $0x7, v5  }
0x1a: {  	v5 =	vld [tilespmem:s17+$0x0];
	[tilespmem:s15+$0x800] =	vst v7  }
0x1b: {  	[tilespmem:s15+$0x400] =	vst v6;
	s15 =	smov.u32 s17  }
0x1c: {  	_ =	sdelay $0x2  }
0x1d: {  	v6 =	vand.u32 $0x7, v5  }
0x1e: {  	v5 =	vshrl.u32 v5, $0x3;
	[tilespmem:s15+$0x800] =	vst v6  }
0x1f: {  	[tilespmem:s15+$0x400] =	vst v5;
	s15 =	simm.s32 $0x0  }
0x20: {  	s16 =	simm.s32 $0x40;
	v5 =	vld [tilespmem:s15+$0x400]  }
.LBB2_4:
0x21: {  	p0 =	sne.s32 s16, $0xFC0  }
.Ltmp1:
0x22: {  	_ = 	snop;
	(pc) =	sbr.rel @p0 .LBB2_4-.Ltmp1, $3  }
0x23: {  	_ =	sdelay $0x1  }
0x24: {  	s17 =	sshra.s32 s16, $0x2;
	s16 =	sadd.s32 $0x40, s16;
	v6 =	vadd.s32 v0, v5  }
0x25: {  	v5 =	vld [tilespmem:s17+$0x400];
	[tilespmem:s15+$0x0] =	vst v6;
	s15 =	smov.u32 s17  }
0x26: {  	_ =	sdelay $0x3  }
0x27: {  	v5 =	vadd.s32 v0, v5  }
0x28: {  	s31 =	simm.s32 $0x0;
	[tilespmem:s15+$0x0] =	vst v5  }
0x29: {  	[tilespmem:s11], [sflag:$0x1] =	stream.indirect.gather [hbm4b:s1+s10], $0x8, s31, s10, $0xb8;
	[tilespmem:$0x3000] =	vst v63  }
0x2a: {  	_ =	swait.ge [sflag:s12], $0x2000  }
0x2b: {  	[sflag:s12] =	ssyncset.done $0x0  }
0x2c: {  	s16 =	simm.s32 $0x800;
	[sflag:s12] =	ssyncadd.s32 $0xFFFFE000  }
0x2d: {  	v5 =	vld [tilespmem:s16+$0x0];
	_ =	sdelay $0x2  }
0x2e: {  	v6 =	vmov s31  }
0x2f: {  	v6 =	vshll.u32 v6, $0x3  }
0x30: {  	v6 =	vor.u32 v4, v6;
	v7 =	vand.u32 $0xFFFFFFF8, v5  }
0x31: {  	v5 =	vand.u32 $0x7, v5;
	v6 =	vadd.s32 v6, v7  }
0x32: {  	v5 =	vor.u32 v5, v6;
	_ =	sdelay $0x4  }
0x33: {  	v5 =	vld.idx.msk [tilespmem:v5+s11+$0x0], $0xffff;
	_ =	sdelay $0x4  }
0x34: {  	v5 =	vmul.f32 v5, v1  }
0x35: {  	s15 =	simm.s32 $0x2C00  }
0x36: {  	s16 =	simm.s32 $0x810;
	[tilespmem:s15+$0x0] =	vst v5  }
0x37: {  	s17 =	simm.s32 $0x10;
	s18 =	simm.s32 $0x20;
	v5 =	vld [tilespmem:s16+$0x0]  }
.LBB2_6:
0x38: {  	p0 =	sne.s32 s18, $0x3F0;
	_ =	sdelay $0x1  }
0x39: {  	v6 =	vmov s17;
	s17 =	smov.u32 s18  }
0x3a: {  	v6 =	vshll.u32 v6, $0x3  }
0x3b: {  	v6 =	vor.u32 v4, v6;
	v7 =	vand.u32 $0xFFFFFFF8, v5  }
0x3c: {  	v5 =	vand.u32 $0x7, v5;
	v6 =	vadd.s32 v6, v7  }
0x3d: {  	v5 =	vor.u32 v5, v6;
	_ =	sdelay $0x4  }
0x3e: {  	v5 =	vld.idx.msk [tilespmem:v5+s11+$0x0], $0xffff;
	_ =	sdelay $0x4  }
.Ltmp2:
0x3f: {  	(pc) =	sbr.rel @p0 .LBB2_6-.Ltmp2, $4  }
0x40: {  	v5 =	vmul.f32 v5, v1  }
0x41: {  	s15 =	sadd.s32 $0x10, s15  }
0x42: {  	s16 =	sadd.s32 $0x10, s16;
	[tilespmem:s15+$0x0] =	vst v5  }
0x43: {  	s18 =	sadd.s32 $0x10, s18;
	v5 =	vld [tilespmem:s16+$0x0]  }
0x44: {  	_ =	sdelay $0x1  }
0x45: {  	v6 =	vmov s17  }
0x46: {  	v6 =	vshll.u32 v6, $0x3  }
0x47: {  	v6 =	vor.u32 v4, v6;
	v7 =	vand.u32 $0xFFFFFFF8, v5  }
0x48: {  	v5 =	vand.u32 $0x7, v5;
	v6 =	vadd.s32 v6, v7  }
0x49: {  	v5 =	vor.u32 v5, v6;
	_ =	sdelay $0x4  }
0x4a: {  	v5 =	vld.idx.msk [tilespmem:v5+s11+$0x0], $0xffff;
	_ =	sdelay $0x4  }
0x4b: {  	v5 =	vmul.f32 v5, v1  }
0x4c: {  	s15 =	sadd.s32 $0x10, s15  }
0x4d: {  	s31 =	simm.s32 $0x0;
	[tilespmem:s15+$0x0] =	vst v5  }
0x4e: {  	[hbm4b:s5+s31] =	stream.linear.scatter [tilespmem:s13], [sflag:$0x2], $0x400, $0x38;
	[tilespmem:$0x3000] =	vst v63  }
0x4f: {  	_ =	swait.ge [sflag:s9], $0x400  }
0x50: {  	[sflag:s9] =	ssyncset.done $0x0  }
0x51: {  	s15 =	simm.s32 $0x0;
	[sflag:s9] =	ssyncadd.s32 $0xFFFFFC00  }
0x52: {  	s16 =	simm.s32 $0x40;
	v5 =	vld [tilespmem:s15+$0x400]  }
.LBB2_8:
0x53: {  	p0 =	sne.s32 s16, $0xFC0  }
.Ltmp3:
0x54: {  	_ = 	snop;
	(pc) =	sbr.rel @p0 .LBB2_8-.Ltmp3, $3  }
0x55: {  	_ =	sdelay $0x1  }
0x56: {  	s17 =	sshra.s32 s16, $0x2;
	s16 =	sadd.s32 $0x40, s16;
	v6 =	vadd.s32 v2, v5  }
0x57: {  	v5 =	vld [tilespmem:s17+$0x400];
	[tilespmem:s15+$0x0] =	vst v6;
	s15 =	smov.u32 s17  }
0x58: {  	_ =	sdelay $0x3  }
0x59: {  	v5 =	vadd.s32 v2, v5  }
0x5a: {  	s31 =	simm.s32 $0x0;
	[tilespmem:s15+$0x0] =	vst v5  }
0x5b: {  	[tilespmem:s11], [sflag:$0x1] =	stream.indirect.gather [hbm4b:s1+s10], $0x8, s31, s10, $0xb8;
	[tilespmem:$0x3000] =	vst v63  }
0x5c: {  	_ =	swait.ge [sflag:s12], $0x2000  }
0x5d: {  	[sflag:s12] =	ssyncset.done $0x0  }
0x5e: {  	s16 =	simm.s32 $0x800;
	[sflag:s12] =	ssyncadd.s32 $0xFFFFE000  }
0x5f: {  	v5 =	vld [tilespmem:s16+$0x0];
	_ =	sdelay $0x2  }
0x60: {  	v6 =	vmov s31  }
0x61: {  	v6 =	vshll.u32 v6, $0x3  }
0x62: {  	v6 =	vor.u32 v4, v6;
	v7 =	vand.u32 $0xFFFFFFF8, v5  }
0x63: {  	v5 =	vand.u32 $0x7, v5;
	v6 =	vadd.s32 v6, v7  }
0x64: {  	v5 =	vor.u32 v5, v6;
	_ =	sdelay $0x4  }
0x65: {  	v5 =	vld.idx.msk [tilespmem:v5+s11+$0x0], $0xffff;
	_ =	sdelay $0x4  }
0x66: {  	v5 =	vmul.f32 v5, v1  }
0x67: {  	s15 =	simm.s32 $0x2C00  }
0x68: {  	s16 =	simm.s32 $0x810;
	[tilespmem:s15+$0x0] =	vst v5  }
0x69: {  	s17 =	simm.s32 $0x10;
	s18 =	simm.s32 $0x20;
	v5 =	vld [tilespmem:s16+$0x0]  }
.LBB2_10:
0x6a: {  	p0 =	sne.s32 s18, $0x3F0;
	_ =	sdelay $0x1  }
0x6b: {  	v6 =	vmov s17;
	s17 =	smov.u32 s18  }
0x6c: {  	v6 =	vshll.u32 v6, $0x3  }
0x6d: {  	v6 =	vor.u32 v4, v6;
	v7 =	vand.u32 $0xFFFFFFF8, v5  }
0x6e: {  	v5 =	vand.u32 $0x7, v5;
	v6 =	vadd.s32 v6, v7  }
0x6f: {  	v5 =	vor.u32 v5, v6;
	_ =	sdelay $0x4  }
0x70: {  	v5 =	vld.idx.msk [tilespmem:v5+s11+$0x0], $0xffff;
	_ =	sdelay $0x4  }
.Ltmp4:
0x71: {  	(pc) =	sbr.rel @p0 .LBB2_10-.Ltmp4, $4  }
0x72: {  	v5 =	vmul.f32 v5, v1  }
0x73: {  	s15 =	sadd.s32 $0x10, s15  }
0x74: {  	s16 =	sadd.s32 $0x10, s16;
	[tilespmem:s15+$0x0] =	vst v5  }
0x75: {  	s18 =	sadd.s32 $0x10, s18;
	v5 =	vld [tilespmem:s16+$0x0]  }
0x76: {  	_ =	sdelay $0x1  }
0x77: {  	v6 =	vmov s17  }
0x78: {  	v6 =	vshll.u32 v6, $0x3  }
0x79: {  	v6 =	vor.u32 v4, v6;
	v7 =	vand.u32 $0xFFFFFFF8, v5  }
0x7a: {  	v5 =	vand.u32 $0x7, v5;
	v6 =	vadd.s32 v6, v7  }
0x7b: {  	v5 =	vor.u32 v5, v6;
	_ =	sdelay $0x4  }
0x7c: {  	v5 =	vld.idx.msk [tilespmem:v5+s11+$0x0], $0xffff;
	_ =	sdelay $0x4  }
0x7d: {  	v5 =	vmul.f32 v5, v1  }
0x7e: {  	s15 =	sadd.s32 $0x10, s15  }
0x7f: {  	s31 =	simm.s32 $0x0;
	[tilespmem:s15+$0x0] =	vst v5  }
0x80: {  	[hbm4b:s6+s31] =	stream.linear.scatter [tilespmem:s13], [sflag:$0x2], $0x400, $0x38;
	[tilespmem:$0x3000] =	vst v63  }
0x81: {  	_ =	swait.ge [sflag:s9], $0x400  }
0x82: {  	[sflag:s9] =	ssyncset.done $0x0  }
0x83: {  	s15 =	simm.s32 $0x0;
	[sflag:s9] =	ssyncadd.s32 $0xFFFFFC00  }
0x84: {  	s16 =	simm.s32 $0x40;
	v5 =	vld [tilespmem:s15+$0x400]  }
.LBB2_12:
0x85: {  	p0 =	sne.s32 s16, $0xFC0  }
.Ltmp5:
0x86: {  	_ = 	snop;
	(pc) =	sbr.rel @p0 .LBB2_12-.Ltmp5, $3  }
0x87: {  	_ =	sdelay $0x1  }
0x88: {  	s17 =	sshra.s32 s16, $0x2;
	s16 =	sadd.s32 $0x40, s16;
	v6 =	vadd.s32 v3, v5  }
0x89: {  	v5 =	vld [tilespmem:s17+$0x400];
	[tilespmem:s15+$0x0] =	vst v6;
	s15 =	smov.u32 s17  }
0x8a: {  	_ =	sdelay $0x3  }
0x8b: {  	v5 =	vadd.s32 v3, v5  }
0x8c: {  	s31 =	simm.s32 $0x0;
	[tilespmem:s15+$0x0] =	vst v5  }
0x8d: {  	[tilespmem:s11], [sflag:$0x1] =	stream.indirect.gather [hbm4b:s1+s10], $0x8, s31, s10, $0xb8;
	[tilespmem:$0x3000] =	vst v63  }
0x8e: {  	_ =	swait.ge [sflag:s12], $0x2000  }
0x8f: {  	[sflag:s12] =	ssyncset.done $0x0  }
0x90: {  	s16 =	simm.s32 $0x800;
	[sflag:s12] =	ssyncadd.s32 $0xFFFFE000  }
0x91: {  	v5 =	vld [tilespmem:s16+$0x0];
	_ =	sdelay $0x2  }
0x92: {  	v6 =	vmov s31  }
0x93: {  	v6 =	vshll.u32 v6, $0x3  }
0x94: {  	v6 =	vor.u32 v4, v6;
	v7 =	vand.u32 $0xFFFFFFF8, v5  }
0x95: {  	v5 =	vand.u32 $0x7, v5;
	v6 =	vadd.s32 v6, v7  }
0x96: {  	v5 =	vor.u32 v5, v6;
	_ =	sdelay $0x4  }
0x97: {  	v5 =	vld.idx.msk [tilespmem:v5+s11+$0x0], $0xffff;
	_ =	sdelay $0x4  }
0x98: {  	v5 =	vmul.f32 v5, v1  }
0x99: {  	s15 =	simm.s32 $0x2C00  }
0x9a: {  	s16 =	simm.s32 $0x810;
	[tilespmem:s15+$0x0] =	vst v5  }
0x9b: {  	s17 =	simm.s32 $0x10;
	s18 =	simm.s32 $0x20;
	v5 =	vld [tilespmem:s16+$0x0]  }
.LBB2_14:
0x9c: {  	p0 =	sne.s32 s18, $0x3F0;
	_ =	sdelay $0x1  }
0x9d: {  	v6 =	vmov s17;
	s17 =	smov.u32 s18  }
0x9e: {  	v6 =	vshll.u32 v6, $0x3  }
0x9f: {  	v6 =	vor.u32 v4, v6;
	v7 =	vand.u32 $0xFFFFFFF8, v5  }
0xa0: {  	v5 =	vand.u32 $0x7, v5;
	v6 =	vadd.s32 v6, v7  }
0xa1: {  	v5 =	vor.u32 v5, v6;
	_ =	sdelay $0x4  }
0xa2: {  	v5 =	vld.idx.msk [tilespmem:v5+s11+$0x0], $0xffff;
	_ =	sdelay $0x4  }
.Ltmp6:
0xa3: {  	(pc) =	sbr.rel @p0 .LBB2_14-.Ltmp6, $4  }
0xa4: {  	v5 =	vmul.f32 v5, v1  }
0xa5: {  	s15 =	sadd.s32 $0x10, s15  }
0xa6: {  	s16 =	sadd.s32 $0x10, s16;
	[tilespmem:s15+$0x0] =	vst v5  }
0xa7: {  	s18 =	sadd.s32 $0x10, s18;
	v5 =	vld [tilespmem:s16+$0x0]  }
0xa8: {  	_ =	sdelay $0x1  }
0xa9: {  	v6 =	vmov s17  }
0xaa: {  	v6 =	vshll.u32 v6, $0x3  }
0xab: {  	v6 =	vor.u32 v4, v6;
	v7 =	vand.u32 $0xFFFFFFF8, v5  }
0xac: {  	v5 =	vand.u32 $0x7, v5;
	v6 =	vadd.s32 v6, v7  }
0xad: {  	v5 =	vor.u32 v5, v6;
	_ =	sdelay $0x4  }
0xae: {  	v5 =	vld.idx.msk [tilespmem:v5+s11+$0x0], $0xffff;
	_ =	sdelay $0x4  }
0xaf: {  	s14 =	sadd.s32 $0x1, s14;
	v5 =	vmul.f32 v5, v1  }
0xb0: {  	s15 =	sadd.s32 $0x10, s15;
	p0 =	sne.s32 s14, s8  }
.Ltmp7:
0xb1: {  	[tilespmem:s15+$0x0] =	vst v5;
	(pc) =	sbr.rel @p0 .LBB2_1-.Ltmp7, $4  }
0xb2: {  	[hbm4b:s7+s2] =	stream.linear.scatter [tilespmem:s13], [sflag:$0x2], $0x400, $0x38;
	[tilespmem:$0x3000] =	vst v63  }
0xb3: {  	_ =	swait.ge [sflag:s9], $0x400  }
0xb4: {  	[sflag:s9] =	ssyncset.done $0x0  }
0xb5: {  	[sflag:s9] =	ssyncadd.s32 $0xFFFFFC00  }
0xb6: {  	_ =	sfence.sel $0x180000  }
0xb7: {  	[bflag:$0x0] =	sbarrier.arrive $0xFFFF  }
0xb8: {  	p0 =	sne.s32 s3, $0x0;
	_ =	strace $0x90000047  }
0xb9: {  	s0 =	sadd.s32 @!p0 $0x100000, s0;
	[bflag:$0x2] =	sbarrier.arrive $0xFFFF  }
0xba: {  	[sflag:s0] =	ssyncadd.tile.s32 @!p0 $0x1;
	_ =	shalt  }
.Lfunc_end2:
_tile_overlayer_lowered:
.L_overlay_start_2:
0xbb: {  	(tag) =	ssettag $0x2  }
0xbc: {  	s0 =	rddreg [dreg:$0x0];
	s2 =	stileid.u32  }
0xbd: {  	s1 =	rddreg [dreg:$0x1];
	p0 =	sne.s32 s2, $0x0  }
0xbe: {  	s3 =	rddreg [dreg:$0x2];
	[bflag:$0x3] =	sbarrier.arrive $0xFFFF;
	s2 =	simm.s32 @!p0 $0x1C02  }
0xbf: {  	[timem:s3], [sflag:s2] =	dma.local @!p0 [hbm:s0], s1  }
0xc0: {  	s0 =	simm.s32 @!p0 $0x2  }
0xc1: {  	_ =	swait.ge @!p0 [sflag:s0], s1  }
0xc2: {  	s1 =	ssub.s32 @!p0 $0x0, s1;
	[sflag:s0] =	ssyncset.done @!p0 $0x0  }
0xc3: {  	[sflag:s0] =	ssyncadd.s32 @!p0 s1  }
0xc4: {  	[bflag:$0x3] =	sbarrier.arrive $0xFFFF  }
0xc5: {  	_ =	shalt  }

</sc_bundles>
